<compile_context>
chip_gen: v7x
topology: tpu7x:2x2x1
jax: 0.10.2.dev20260603
libtpu: 0.0.44.dev20260713+nightly
codegen_flags: <defaults>
</compile_context>

<pallas_src>
import functools
import math

import jax
import jax.numpy as jnp
from jax import lax
from jax.experimental import pallas as pl
from jax.experimental.pallas import tpu as pltpu
from jax.experimental.pallas import tpu_sc as plsc

_BTA = 512
_BT = 256
_NHC = 2


def _gelu_exact(h):
    return 0.5 * h * (1.0 + lax.erf(h * (1.0 / math.sqrt(2.0))))



def _gate_body(x_ref, wgr_ref, wg_ref, pos_ref, ss_ref, meta_ref,
               idx_s, rank_s, sc_s, cnt_s, *, n_experts, n_tiles):
    ph = pl.program_id(0)
    i = pl.program_id(1)
    rows = pl.ds(i * _BTA, _BTA)

    @pl.when(ph == 0)
    def _phase0():
        @pl.when(i == 0)
        def _init():
            cnt_s[...] = jnp.zeros((1, 16), jnp.float32)

        xb = x_ref[...]
        g = lax.dot_general(
            xb, wgr_ref[...], (((1,), (1,)), ((), ())),
            preferred_element_type=jnp.float32)
        wgn = wg_ref[...]
        norm = jnp.sqrt(jnp.sum(wgn * wgn, axis=1, keepdims=True))
        wgn = wgn / jnp.maximum(norm, 1e-4)
        logits = lax.dot_general(
            g, wgn, (((1,), (1,)), ((), ())),
            preferred_element_type=jnp.float32)
        m = jnp.max(logits, axis=1, keepdims=True)
        s = jnp.sum(jnp.exp(logits - m), axis=1, keepdims=True)
        lane_e = lax.broadcasted_iota(jnp.int32, logits.shape, 1)
        idx = jnp.min(jnp.where(logits == m, lane_e, n_experts),
                      axis=1, keepdims=True)
        idx_s[rows, :] = idx
        sc_s[rows, :] = 1.0 / s

        lane16 = lax.broadcasted_iota(jnp.int32, (_BTA, 16), 1)
        onehot = (lane16 == idx).astype(jnp.float32)
        r_io = lax.broadcasted_iota(jnp.int32, (_BTA, _BTA), 0)
        c_io = lax.broadcasted_iota(jnp.int32, (_BTA, _BTA), 1)
        tri = (r_io > c_io).astype(jnp.bfloat16)
        ranks = lax.dot_general(
            tri, onehot.astype(jnp.bfloat16), (((1,), (0,)), ((), ())),
            preferred_element_type=jnp.float32)
        ranks = ranks + cnt_s[...]
        rank_s[rows, :] = jnp.sum(ranks * onehot, axis=1, keepdims=True)
        cnt_s[...] += jnp.sum(onehot, axis=0, keepdims=True)

    @pl.when(ph == 1)
    def _phase1():
        cnt = cnt_s[...]
        a_io = lax.broadcasted_iota(jnp.int32, (16, 16), 0)
        b_io = lax.broadcasted_iota(jnp.int32, (16, 16), 1)
        hp = lax.Precision.HIGHEST
        up = (a_io < b_io).astype(jnp.float32)
        eye = (a_io == b_io).astype(jnp.float32)
        offs = lax.dot_general(
            cnt, up, (((1,), (0,)), ((), ())), precision=hp,
            preferred_element_type=jnp.float32)

        bt_f = float(_BT)
        incl = offs + cnt
        jfirst = jnp.floor(offs / bt_f)
        jlast = jnp.floor((incl - 1.0) / bt_f)
        nonempty = incl > offs
        ntiles = jnp.where(nonempty, jlast - jfirst + 1.0, 0.0)
        cumt = lax.dot_general(
            ntiles, up, (((1,), (0,)), ((), ())), precision=hp,
            preferred_element_type=jnp.float32)

        def col(v):
            return lax.dot_general(eye, v, (((1,), (1,)), ((), ())),
                                   precision=hp,
                                   preferred_element_type=jnp.float32)

        s_io = b_io.astype(jnp.float32)
        ind = jnp.logical_and(s_io >= col(cumt),
                              s_io < col(cumt) + col(ntiles))
        ind = ind.astype(jnp.float32)

        def rowdot(v):
            return lax.dot_general(v, ind, (((1,), (0,)), ((), ())),
                                   precision=hp,
                                   preferred_element_type=jnp.float32)

        ev = lax.broadcasted_iota(jnp.int32, (1, 16), 1).astype(jnp.float32)
        ones = jnp.ones((1, 16), jnp.float32)
        valid = rowdot(ones)
        be = rowdot(ev)
        bj = rowdot(jfirst - cumt) + ev
        obe = rowdot(offs)
        onx = rowdot(incl)
        be = jnp.where(valid > 0, be, float(n_experts - 1))
        bj = jnp.where(valid > 0, bj, float(n_tiles - 1))
        blo = jnp.clip(obe - bj * bt_f, 0.0, bt_f)
        bhi = jnp.clip(onx - bj * bt_f, 0.0, bt_f)
        meta_ref[...] = jnp.concatenate(
            [be, bj, blo, bhi], axis=0).astype(jnp.int32)

        idx = idx_s[rows, :]
        lane16 = lax.broadcasted_iota(jnp.int32, (_BTA, 16), 1)
        onehot = (lane16 == idx).astype(jnp.float32)
        og = jnp.sum(onehot * offs, axis=1, keepdims=True)
        pos_ref[...] = (rank_s[rows, :] + og).astype(jnp.int32)
        ss_ref[...] = jnp.broadcast_to(sc_s[rows, :], (_BTA, 128))


def _gate_positions(x, wg_red, wg, n_experts):
    t, d = x.shape
    n_tiles = t // _BTA
    tile_map = lambda p, i: (jnp.where(p == 0, n_tiles, i), 0)
    pos_full, ss_full, meta = pl.pallas_call(
        functools.partial(_gate_body, n_experts=n_experts, n_tiles=n_tiles),
        grid=(2, n_tiles),
        in_specs=[
            pl.BlockSpec((_BTA, d), lambda p, i: (jnp.where(p == 0, i, 0), 0)),
            pl.BlockSpec(wg_red.shape, lambda p, i: (0, 0)),
            pl.BlockSpec(wg.shape, lambda p, i: (0, 0)),
        ],
        out_specs=[
            pl.BlockSpec((_BTA, 1), tile_map),
            pl.BlockSpec((_BTA, 128), tile_map),
            pl.BlockSpec((4, 16), lambda p, i: (0, 0)),
        ],
        out_shape=[
            jax.ShapeDtypeStruct((t + _BTA, 1), jnp.int32),
            jax.ShapeDtypeStruct((t + _BTA, 128), jnp.float32),
            jax.ShapeDtypeStruct((4, 16), jnp.int32),
        ],
        scratch_shapes=[
            pltpu.VMEM((t, 1), jnp.int32),
            pltpu.VMEM((t, 1), jnp.float32),
            pltpu.VMEM((t, 1), jnp.float32),
            pltpu.VMEM((1, 16), jnp.float32),
        ],
        compiler_params=pltpu.CompilerParams(
            dimension_semantics=("arbitrary", "arbitrary"),
        ),
    )(x, wg_red, wg)
    return pos_full, ss_full, meta



def _sc_scatter(x, ss16, pos, t):
    d = x.shape[1]
    mesh = plsc.VectorSubcoreMesh(core_axis_name="c", subcore_axis_name="s")
    nw = 32
    b = t // nw

    @functools.partial(
        pl.kernel, mesh=mesh,
        out_type=[jax.ShapeDtypeStruct((t, d), jnp.float32),
                  jax.ShapeDtypeStruct((t, 128), jnp.float32)],
        scratch_types=[
            pltpu.VMEM((b,), jnp.int32),
            pltpu.VMEM((b, d), jnp.float32),
            pltpu.VMEM((b, 128), jnp.float32),
            pltpu.SemaphoreType.DMA,
        ],
    )
    def k(x_hbm, ss_hbm, pos_hbm, xs_hbm, sss_hbm, idx_v, rows_v, sc_v, sem):
        wid = lax.axis_index("s") * 2 + lax.axis_index("c")
        base = wid * b
        pltpu.sync_copy(pos_hbm.at[pl.ds(base, b)], idx_v)
        pltpu.sync_copy(x_hbm.at[pl.ds(base, b)], rows_v)
        pltpu.sync_copy(ss_hbm.at[pl.ds(base, b)], sc_v)
        pltpu.async_copy(rows_v, xs_hbm.at[idx_v], sem).wait()
        pltpu.async_copy(sc_v, sss_hbm.at[idx_v], sem).wait()

    return k(x, ss16, pos)



def _ffn_body(meta_ref, xs_ref, ss_ref, w1_ref, b1_ref, w2_ref,
              b2_ref, o_ref, *, n_experts):
    c = pl.program_id(0)
    s = pl.program_id(1)
    bj = meta_ref[16 + s]
    lo = meta_ref[32 + s]
    hi = meta_ref[48 + s]
    rows = pl.ds(bj * _BT, _BT)

    @pl.when(jnp.logical_and(c == 0, s == 0))
    def _zero():
        o_ref[...] = jnp.zeros_like(o_ref[...])

    @pl.when(hi > lo)
    def _compute():
        xb = xs_ref[rows, :].astype(jnp.bfloat16)
        w1 = w1_ref[0].astype(jnp.bfloat16)
        h = jnp.dot(xb, w1, preferred_element_type=jnp.float32)
        h = _gelu_exact(h + b1_ref[0])
        part = jnp.dot(h.astype(jnp.bfloat16), w2_ref[0].astype(jnp.bfloat16),
                       preferred_element_type=jnp.float32)
        part = part + jnp.where(c == 0, 1.0, 0.0) * b2_ref[0]
        y = part * ss_ref[rows, :1]
        r_io = lax.broadcasted_iota(jnp.int32, (_BT, 1), 0)
        mask = jnp.logical_and(r_io >= lo, r_io < hi)
        o_ref[rows, :] += jnp.where(mask, y, 0.0)


def _grouped_ffn(xs, sss, meta, weight1, bias1, weight2, bias2):
    t, d = xs.shape
    n_experts, _, hdim = weight1.shape
    hc = hdim // _NHC

    grid_spec = pltpu.PrefetchScalarGridSpec(
        num_scalar_prefetch=1,
        grid=(_NHC, 16),
        in_specs=[
            pl.BlockSpec((t, d), lambda c, s, m: (0, 0)),
            pl.BlockSpec((t, 128), lambda c, s, m: (0, 0)),
            pl.BlockSpec((1, d, hc), lambda c, s, m: (m[s], 0, c)),
            pl.BlockSpec((1, 1, hc), lambda c, s, m: (m[s], 0, c)),
            pl.BlockSpec((1, hc, d), lambda c, s, m: (m[s], c, 0)),
            pl.BlockSpec((1, 1, d), lambda c, s, m: (m[s], 0, 0)),
        ],
        out_specs=pl.BlockSpec((t, d), lambda c, s, m: (0, 0)),
    )
    body = functools.partial(_ffn_body, n_experts=n_experts)
    return pl.pallas_call(
        body,
        grid_spec=grid_spec,
        out_shape=jax.ShapeDtypeStruct((t, d), jnp.float32),
        compiler_params=pltpu.CompilerParams(
            dimension_semantics=("arbitrary", "arbitrary"),
        ),
    )(meta, xs, sss, weight1, bias1.reshape(n_experts, 1, hdim),
      weight2, bias2.reshape(n_experts, 1, d))



def _sc_gather(ys, pos):
    t, d = ys.shape
    mesh = plsc.VectorSubcoreMesh(core_axis_name="c", subcore_axis_name="s")
    nw = 32
    b = t // nw

    @functools.partial(
        pl.kernel, mesh=mesh,
        out_type=jax.ShapeDtypeStruct((t, d), jnp.float32),
        scratch_types=[
            pltpu.VMEM((b,), jnp.int32),
            pltpu.VMEM((b, d), jnp.float32),
            pltpu.SemaphoreType.DMA,
        ],
    )
    def k(ys_hbm, pos_hbm, y_hbm, idx_v, rows_v, sem):
        wid = lax.axis_index("s") * 2 + lax.axis_index("c")
        base = wid * b
        pltpu.sync_copy(pos_hbm.at[pl.ds(base, b)], idx_v)
        pltpu.async_copy(ys_hbm.at[idx_v], rows_v, sem).wait()
        pltpu.sync_copy(rows_v, y_hbm.at[pl.ds(base, b)])

    return k(ys, pos)


def kernel(hidden_states, wg_red, wg, weight1, bias1, weight2, bias2):
    bsz, t, d = hidden_states.shape
    n_experts = weight1.shape[0]
    x = hidden_states.reshape(t, d)

    pos, ss16, meta = _gate_positions(x, wg_red, wg, n_experts)
    pos1 = pos.reshape(-1)
    xs, sss = _sc_scatter(x, ss16, pos1, t)
    ys = _grouped_ffn(xs, sss, meta.reshape(64),
                      weight1, bias1, weight2, bias2)
    y = _sc_gather(ys, pos1)
    return y.reshape(bsz, t, d)

# --- scband reference (transcript-rebuilt; emitter-appended) ---
"""Pipeline reference for scband-switch-mo-e-80083960201401 (READ-ONLY COPY).

The authoritative reference and input builder live on the scoring server;
editing this copy changes nothing except your own understanding.
"""

import jax, jax.numpy as jnp
import numpy as np

E, D, H, B, S = 8, 768, 3072, 1, 2048
CHUNK = 32

def setup_inputs(seed: int = 0):
    key = jax.random.key(seed)
    ks = jax.random.split(key, 7)
    hidden_states = jax.random.normal(ks[0], (B, S, D), dtype=jnp.float32)
    wg_red = jax.random.normal(ks[1], (16, D), dtype=jnp.float32) * 0.02
    wg = jax.random.normal(ks[2], (E, 16), dtype=jnp.float32) * 0.32
    weight1 = jax.random.uniform(ks[3], (E, D, H), dtype=jnp.float32) * 0.02
    weight2 = jax.random.uniform(ks[4], (E, H, D), dtype=jnp.float32) * 0.02
    bias1 = jax.random.uniform(ks[5], (E, H), dtype=jnp.float32) * 0.02
    bias2 = jax.random.uniform(ks[6], (E, D), dtype=jnp.float32) * 0.02
    return {"hidden_states": hidden_states, "wg_red": wg_red, "wg": wg,
            "weight1": weight1, "bias1": bias1, "weight2": weight2, "bias2": bias2}

def _gate(x, wg_red, wg):
    # MoEGate: linear reduction to 16 dims, then cosine similarity with wg rows.
    # The in-place wg renormalization in torch is a no-op w.r.t. the output since
    # _cosine re-normalizes wg rows to unit L2 norm anyway.
    h = x @ wg_red.T
    norm = jnp.linalg.norm(wg, axis=1, keepdims=True)
    wg_n = wg / jnp.maximum(norm, 1e-4)
    return h @ wg_n.T

def _experts(x, idx, w1, b1, w2, b2):
    # Faithful to MoERuntimeExperts: per-token gather of the selected expert's
    # weight matrices and bmm. Chunked with lax.map + remat to bound memory of
    # the gathered [tokens, D, H] weight tensor.
    def chunk_fn(args):
        xc, ic = args
        h = jnp.einsum('td,tdh->th', xc, w1[ic]) + b1[ic]
        h = jax.nn.gelu(h, approximate=False)
        y = jnp.einsum('th,tho->to', h, w2[ic]) + b2[ic]
        return y
    T = x.shape[0]
    xs = x.reshape(T // CHUNK, CHUNK, -1)
    ids = idx.reshape(T // CHUNK, CHUNK)
    ys = jax.lax.map(jax.checkpoint(chunk_fn), (xs, ids))
    return ys.reshape(T, -1)

def reference(hidden_states, wg_red, wg, weight1, bias1, weight2, bias2):
    b, t, c = hidden_states.shape
    x = hidden_states.reshape(-1, c)
    logits = _gate(x, wg_red, wg)
    gates = jax.nn.softmax(logits, axis=1)
    scores = jnp.max(gates, axis=1)
    indices_s = jnp.argmax(gates, axis=1)
    y = _experts(x, indices_s, weight1, bias1, weight2, bias2)
    y = y * scores[:, None]
    return y.reshape(b, t, c)

if __name__ == "__main__":
    import jax
    _d = setup_inputs()
    print(jax.jit(kernel)(*tuple(_d.values())))

</pallas_src>

<mosaic_0001>
#map = affine_map<(d0, d1) -> (0, 0)>
#map1 = affine_map<(d0, d1) -> (0)>
module attributes {stable_mosaic.version = 14 : i64} {
  func.func @k(%arg0: i32, %arg1: i32, %arg2: memref<2048x768xf32, #tpu.memory_space<hbm>>, %arg3: memref<2560xi32, #tpu.memory_space<hbm>>, %arg4: memref<2048x768xf32, #tpu.memory_space<hbm>>, %arg5: memref<64xi32, #tpu.memory_space<vmem>>, %arg6: memref<64x768xf32, #tpu.memory_space<vmem>>, %arg7: memref<!tpu.dma_semaphore, #tpu.memory_space<semaphore_mem>>) attributes {dimension_semantics = [#tpu.dimension_semantics<core_parallel>, #tpu.dimension_semantics<subcore_parallel>], iteration_bounds = array<i64: 2, 16>, scalar_prefetch = 0 : i64, scratch_operands = 3 : i64, tpu.core_type = #tpu.core_type<sc_vector_subcore>, window_params = [{transform_indices = #map}, {transform_indices = #map1}, {transform_indices = #map}]} {
    %mul3A = arith.constant 2 : i32
    %mul3A_0 = arith.muli %arg1, %mul3A : i32
    %add3A = arith.addi %mul3A_0, %arg0 : i32
    %mul3A_1 = arith.constant 64 : i32
    %mul3A_2 = arith.muli %add3A, %mul3A_1 : i32
    "tpu.region"() ({
      %run_scoped3A = tpu.sem_alloc : memref<!tpu.dma_semaphore, #tpu.memory_space<semaphore_mem>>
      %dma_start3A_7 = tpu.memref_slice %arg3[%mul3A_2] : memref<2560xi32, #tpu.memory_space<hbm>> -> memref<64xi32, #tpu.memory_space<hbm>>
      %dma_start3A_8 = tpu.memref_slice %arg3[%mul3A_2] : memref<2560xi32, #tpu.memory_space<hbm>> -> memref<64xi32, #tpu.memory_space<hbm>>
      tpu.enqueue_dma source(%dma_start3A_8 : memref<64xi32, #tpu.memory_space<hbm>>) target(%arg5 : memref<64xi32, #tpu.memory_space<vmem>>) target_semaphore(%run_scoped3A : memref<!tpu.dma_semaphore, #tpu.memory_space<semaphore_mem>>)
      %dma_wait3A_9 = tpu.memref_slice %arg3[%mul3A_2] : memref<2560xi32, #tpu.memory_space<hbm>> -> memref<64xi32, #tpu.memory_space<hbm>>
      %dma_wait3A_10 = tpu.memref_slice %arg3[%mul3A_2] : memref<2560xi32, #tpu.memory_space<hbm>> -> memref<64xi32, #tpu.memory_space<hbm>>
      tpu.wait_dma2 semaphore(%run_scoped3A : memref<!tpu.dma_semaphore, #tpu.memory_space<semaphore_mem>>) src(%dma_wait3A_10 : memref<64xi32, #tpu.memory_space<hbm>>) dst(%arg5 : memref<64xi32, #tpu.memory_space<vmem>>)
      tpu.yield
    }) : () -> ()
    %dma_start3A = arith.constant 0 : i32
    %dma_start3A_3 = arith.constant 0 : i32
    %dma_start3A_4 = tpu.memref_slice %arg2[%dma_start3A, %dma_start3A_3] : memref<2048x768xf32, #tpu.memory_space<hbm>> -> memref<2048x768xf32, #tpu.memory_space<hbm>>
    tpu.enqueue_indirect_dma source(%dma_start3A_4 : memref<2048x768xf32, #tpu.memory_space<hbm>>) target(%arg6 : memref<64x768xf32, #tpu.memory_space<vmem>>) offsets(%arg5 : memref<64xi32, #tpu.memory_space<vmem>>) semaphore(%arg7 : memref<!tpu.dma_semaphore, #tpu.memory_space<semaphore_mem>>)
    %dma_wait3A = arith.constant 0 : i32
    %dma_wait3A_5 = arith.constant 0 : i32
    %dma_wait3A_6 = tpu.memref_slice %arg2[%dma_wait3A, %dma_wait3A_5] : memref<2048x768xf32, #tpu.memory_space<hbm>> -> memref<2048x768xf32, #tpu.memory_space<hbm>>
    tpu.wait_indirect_dma semaphore(%arg7 : memref<!tpu.dma_semaphore, #tpu.memory_space<semaphore_mem>>) src(%dma_wait3A_6 : memref<2048x768xf32, #tpu.memory_space<hbm>>) dst(%arg6 : memref<64x768xf32, #tpu.memory_space<vmem>>)
    "tpu.region"() ({
      %run_scoped3A = tpu.sem_alloc : memref<!tpu.dma_semaphore, #tpu.memory_space<semaphore_mem>>
      %dma_start3A_7 = arith.constant 0 : i32
      %dma_start3A_8 = tpu.memref_slice %arg4[%mul3A_2, %dma_start3A_7] : memref<2048x768xf32, #tpu.memory_space<hbm>> -> memref<64x768xf32, #tpu.memory_space<hbm>>
      %dma_start3A_9 = arith.constant 0 : i32
      %dma_start3A_10 = tpu.memref_slice %arg4[%mul3A_2, %dma_start3A_9] : memref<2048x768xf32, #tpu.memory_space<hbm>> -> memref<64x768xf32, #tpu.memory_space<hbm>>
      tpu.enqueue_dma source(%arg6 : memref<64x768xf32, #tpu.memory_space<vmem>>) target(%dma_start3A_10 : memref<64x768xf32, #tpu.memory_space<hbm>>) target_semaphore(%run_scoped3A : memref<!tpu.dma_semaphore, #tpu.memory_space<semaphore_mem>>)
      %dma_wait3A_11 = arith.constant 0 : i32
      %dma_wait3A_12 = tpu.memref_slice %arg4[%mul3A_2, %dma_wait3A_11] : memref<2048x768xf32, #tpu.memory_space<hbm>> -> memref<64x768xf32, #tpu.memory_space<hbm>>
      %dma_wait3A_13 = arith.constant 0 : i32
      %dma_wait3A_14 = tpu.memref_slice %arg4[%mul3A_2, %dma_wait3A_13] : memref<2048x768xf32, #tpu.memory_space<hbm>> -> memref<64x768xf32, #tpu.memory_space<hbm>>
      tpu.wait_dma2 semaphore(%run_scoped3A : memref<!tpu.dma_semaphore, #tpu.memory_space<semaphore_mem>>) src(%arg6 : memref<64x768xf32, #tpu.memory_space<vmem>>) dst(%dma_wait3A_14 : memref<64x768xf32, #tpu.memory_space<hbm>>)
      tpu.yield
    }) : () -> ()
    return
  }
}

#map = affine_map<(d0, d1) -> (0, 0)>
#map1 = affine_map<(d0, d1) -> (0)>
module attributes {stable_mosaic.version = 14 : i64} {
  func.func @k(%arg0: i32, %arg1: i32, %arg2: memref<2048x768xf32, #tpu.memory_space<hbm>>, %arg3: memref<2560x128xf32, #tpu.memory_space<hbm>>, %arg4: memref<2560xi32, #tpu.memory_space<hbm>>, %arg5: memref<2048x768xf32, #tpu.memory_space<hbm>>, %arg6: memref<2048x128xf32, #tpu.memory_space<hbm>>, %arg7: memref<64xi32, #tpu.memory_space<vmem>>, %arg8: memref<64x768xf32, #tpu.memory_space<vmem>>, %arg9: memref<64x128xf32, #tpu.memory_space<vmem>>, %arg10: memref<!tpu.dma_semaphore, #tpu.memory_space<semaphore_mem>>) attributes {dimension_semantics = [#tpu.dimension_semantics<core_parallel>, #tpu.dimension_semantics<subcore_parallel>], iteration_bounds = array<i64: 2, 16>, scalar_prefetch = 0 : i64, scratch_operands = 4 : i64, tpu.core_type = #tpu.core_type<sc_vector_subcore>, window_params = [{transform_indices = #map}, {transform_indices = #map}, {transform_indices = #map1}, {transform_indices = #map}, {transform_indices = #map}]} {
    %mul3A = arith.constant 2 : i32
    %mul3A_0 = arith.muli %arg1, %mul3A : i32
    %add3A = arith.addi %mul3A_0, %arg0 : i32
    %mul3A_1 = arith.constant 64 : i32
    %mul3A_2 = arith.muli %add3A, %mul3A_1 : i32
    "tpu.region"() ({
      %run_scoped3A = tpu.sem_alloc : memref<!tpu.dma_semaphore, #tpu.memory_space<semaphore_mem>>
      %dma_start3A_13 = tpu.memref_slice %arg4[%mul3A_2] : memref<2560xi32, #tpu.memory_space<hbm>> -> memref<64xi32, #tpu.memory_space<hbm>>
      %dma_start3A_14 = tpu.memref_slice %arg4[%mul3A_2] : memref<2560xi32, #tpu.memory_space<hbm>> -> memref<64xi32, #tpu.memory_space<hbm>>
      tpu.enqueue_dma source(%dma_start3A_14 : memref<64xi32, #tpu.memory_space<hbm>>) target(%arg7 : memref<64xi32, #tpu.memory_space<vmem>>) target_semaphore(%run_scoped3A : memref<!tpu.dma_semaphore, #tpu.memory_space<semaphore_mem>>)
      %dma_wait3A_15 = tpu.memref_slice %arg4[%mul3A_2] : memref<2560xi32, #tpu.memory_space<hbm>> -> memref<64xi32, #tpu.memory_space<hbm>>
      %dma_wait3A_16 = tpu.memref_slice %arg4[%mul3A_2] : memref<2560xi32, #tpu.memory_space<hbm>> -> memref<64xi32, #tpu.memory_space<hbm>>
      tpu.wait_dma2 semaphore(%run_scoped3A : memref<!tpu.dma_semaphore, #tpu.memory_space<semaphore_mem>>) src(%dma_wait3A_16 : memref<64xi32, #tpu.memory_space<hbm>>) dst(%arg7 : memref<64xi32, #tpu.memory_space<vmem>>)
      tpu.yield
    }) : () -> ()
    "tpu.region"() ({
      %run_scoped3A = tpu.sem_alloc : memref<!tpu.dma_semaphore, #tpu.memory_space<semaphore_mem>>
      %dma_start3A_13 = arith.constant 0 : i32
      %dma_start3A_14 = tpu.memref_slice %arg2[%mul3A_2, %dma_start3A_13] : memref<2048x768xf32, #tpu.memory_space<hbm>> -> memref<64x768xf32, #tpu.memory_space<hbm>>
      %dma_start3A_15 = arith.constant 0 : i32
      %dma_start3A_16 = tpu.memref_slice %arg2[%mul3A_2, %dma_start3A_15] : memref<2048x768xf32, #tpu.memory_space<hbm>> -> memref<64x768xf32, #tpu.memory_space<hbm>>
      tpu.enqueue_dma source(%dma_start3A_16 : memref<64x768xf32, #tpu.memory_space<hbm>>) target(%arg8 : memref<64x768xf32, #tpu.memory_space<vmem>>) target_semaphore(%run_scoped3A : memref<!tpu.dma_semaphore, #tpu.memory_space<semaphore_mem>>)
      %dma_wait3A_17 = arith.constant 0 : i32
      %dma_wait3A_18 = tpu.memref_slice %arg2[%mul3A_2, %dma_wait3A_17] : memref<2048x768xf32, #tpu.memory_space<hbm>> -> memref<64x768xf32, #tpu.memory_space<hbm>>
      %dma_wait3A_19 = arith.constant 0 : i32
      %dma_wait3A_20 = tpu.memref_slice %arg2[%mul3A_2, %dma_wait3A_19] : memref<2048x768xf32, #tpu.memory_space<hbm>> -> memref<64x768xf32, #tpu.memory_space<hbm>>
      tpu.wait_dma2 semaphore(%run_scoped3A : memref<!tpu.dma_semaphore, #tpu.memory_space<semaphore_mem>>) src(%dma_wait3A_20 : memref<64x768xf32, #tpu.memory_space<hbm>>) dst(%arg8 : memref<64x768xf32, #tpu.memory_space<vmem>>)
      tpu.yield
    }) : () -> ()
    "tpu.region"() ({
      %run_scoped3A = tpu.sem_alloc : memref<!tpu.dma_semaphore, #tpu.memory_space<semaphore_mem>>
      %dma_start3A_13 = arith.constant 0 : i32
      %dma_start3A_14 = tpu.memref_slice %arg3[%mul3A_2, %dma_start3A_13] : memref<2560x128xf32, #tpu.memory_space<hbm>> -> memref<64x128xf32, #tpu.memory_space<hbm>>
      %dma_start3A_15 = arith.constant 0 : i32
      %dma_start3A_16 = tpu.memref_slice %arg3[%mul3A_2, %dma_start3A_15] : memref<2560x128xf32, #tpu.memory_space<hbm>> -> memref<64x128xf32, #tpu.memory_space<hbm>>
      tpu.enqueue_dma source(%dma_start3A_16 : memref<64x128xf32, #tpu.memory_space<hbm>>) target(%arg9 : memref<64x128xf32, #tpu.memory_space<vmem>>) target_semaphore(%run_scoped3A : memref<!tpu.dma_semaphore, #tpu.memory_space<semaphore_mem>>)
      %dma_wait3A_17 = arith.constant 0 : i32
      %dma_wait3A_18 = tpu.memref_slice %arg3[%mul3A_2, %dma_wait3A_17] : memref<2560x128xf32, #tpu.memory_space<hbm>> -> memref<64x128xf32, #tpu.memory_space<hbm>>
      %dma_wait3A_19 = arith.constant 0 : i32
      %dma_wait3A_20 = tpu.memref_slice %arg3[%mul3A_2, %dma_wait3A_19] : memref<2560x128xf32, #tpu.memory_space<hbm>> -> memref<64x128xf32, #tpu.memory_space<hbm>>
      tpu.wait_dma2 semaphore(%run_scoped3A : memref<!tpu.dma_semaphore, #tpu.memory_space<semaphore_mem>>) src(%dma_wait3A_20 : memref<64x128xf32, #tpu.memory_space<hbm>>) dst(%arg9 : memref<64x128xf32, #tpu.memory_space<vmem>>)
      tpu.yield
    }) : () -> ()
    %dma_start3A = arith.constant 0 : i32
    %dma_start3A_3 = arith.constant 0 : i32
    %dma_start3A_4 = tpu.memref_slice %arg5[%dma_start3A, %dma_start3A_3] : memref<2048x768xf32, #tpu.memory_space<hbm>> -> memref<2048x768xf32, #tpu.memory_space<hbm>>
    tpu.enqueue_indirect_dma source(%arg8 : memref<64x768xf32, #tpu.memory_space<vmem>>) target(%dma_start3A_4 : memref<2048x768xf32, #tpu.memory_space<hbm>>) offsets(%arg7 : memref<64xi32, #tpu.memory_space<vmem>>) semaphore(%arg10 : memref<!tpu.dma_semaphore, #tpu.memory_space<semaphore_mem>>)
    %dma_wait3A = arith.constant 0 : i32
    %dma_wait3A_5 = arith.constant 0 : i32
    %dma_wait3A_6 = tpu.memref_slice %arg5[%dma_wait3A, %dma_wait3A_5] : memref<2048x768xf32, #tpu.memory_space<hbm>> -> memref<2048x768xf32, #tpu.memory_space<hbm>>
    tpu.wait_indirect_dma semaphore(%arg10 : memref<!tpu.dma_semaphore, #tpu.memory_space<semaphore_mem>>) src(%arg8 : memref<64x768xf32, #tpu.memory_space<vmem>>) dst(%dma_wait3A_6 : memref<2048x768xf32, #tpu.memory_space<hbm>>)
    %dma_start3A_7 = arith.constant 0 : i32
    %dma_start3A_8 = arith.constant 0 : i32
    %dma_start3A_9 = tpu.memref_slice %arg6[%dma_start3A_7, %dma_start3A_8] : memref<2048x128xf32, #tpu.memory_space<hbm>> -> memref<2048x128xf32, #tpu.memory_space<hbm>>
    tpu.enqueue_indirect_dma source(%arg9 : memref<64x128xf32, #tpu.memory_space<vmem>>) target(%dma_start3A_9 : memref<2048x128xf32, #tpu.memory_space<hbm>>) offsets(%arg7 : memref<64xi32, #tpu.memory_space<vmem>>) semaphore(%arg10 : memref<!tpu.dma_semaphore, #tpu.memory_space<semaphore_mem>>)
    %dma_wait3A_10 = arith.constant 0 : i32
    %dma_wait3A_11 = arith.constant 0 : i32
    %dma_wait3A_12 = tpu.memref_slice %arg6[%dma_wait3A_10, %dma_wait3A_11] : memref<2048x128xf32, #tpu.memory_space<hbm>> -> memref<2048x128xf32, #tpu.memory_space<hbm>>
    tpu.wait_indirect_dma semaphore(%arg10 : memref<!tpu.dma_semaphore, #tpu.memory_space<semaphore_mem>>) src(%arg9 : memref<64x128xf32, #tpu.memory_space<vmem>>) dst(%dma_wait3A_12 : memref<2048x128xf32, #tpu.memory_space<hbm>>)
    return
  }
}

module attributes {stable_mosaic.version = 14 : i64} {
  func.func @_gate_body(%arg0: i32, %arg1: i32, %arg2: memref<512x768xf32, #tpu.memory_space<vmem>>, %arg3: memref<16x768xf32, #tpu.memory_space<vmem>>, %arg4: memref<8x16xf32, #tpu.memory_space<vmem>>, %arg5: memref<512x1xi32, #tpu.memory_space<vmem>>, %arg6: memref<512x128xf32, #tpu.memory_space<vmem>>, %arg7: memref<4x16xi32, #tpu.memory_space<vmem>>, %arg8: memref<2048x1xi32, #tpu.memory_space<vmem>>, %arg9: memref<2048x1xf32, #tpu.memory_space<vmem>>, %arg10: memref<2048x1xf32, #tpu.memory_space<vmem>>, %arg11: memref<1x16xf32, #tpu.memory_space<vmem>>) attributes {dimension_semantics = [#tpu.dimension_semantics<arbitrary>, #tpu.dimension_semantics<arbitrary>], iteration_bounds = array<i64: 2, 4>, scalar_prefetch = 0 : i64, scratch_operands = 4 : i64, tpu.core_type = #tpu.core_type<tc>, window_params = [{transform_indices = @transform_0, window_bounds = array<i64: 512, 768>}, {pipeline_mode = #tpu.pipeline_mode<synchronous>, transform_indices = @transform_1, window_bounds = array<i64: 16, 768>}, {pipeline_mode = #tpu.pipeline_mode<synchronous>, transform_indices = @transform_2, window_bounds = array<i64: 8, 16>}, {transform_indices = @transform_3, window_bounds = array<i64: 512, 1>}, {transform_indices = @transform_4, window_bounds = array<i64: 512, 128>}, {pipeline_mode = #tpu.pipeline_mode<synchronous>, transform_indices = @transform_5, window_bounds = array<i64: 4, 16>}]} {
    %mul3A = arith.constant 512 : i32
    %mul3A_0 = arith.muli %arg1, %mul3A : i32
    %eq3A = arith.constant 0 : i32
    %eq3A_1 = arith.cmpi eq, %arg0, %eq3A : i32
    %convert_element_type3A = arith.extui %eq3A_1 : i1 to i32
    %cond3A = arith.constant 0 : i32
    %cond3A_2 = arith.cmpi ne, %convert_element_type3A, %cond3A : i32
    scf.if %cond3A_2 {
      %eq3A_8 = arith.constant 0 : i32
      %eq3A_9 = arith.cmpi eq, %arg1, %eq3A_8 : i32
      %convert_element_type3A_10 = arith.extui %eq3A_9 : i1 to i32
      %cond3A_11 = arith.constant 0 : i32
      %cond3A_12 = arith.cmpi ne, %convert_element_type3A_10, %cond3A_11 : i32
      scf.if %cond3A_12 {
        %broadcast_in_dim3A_82 = arith.constant 0.000000e+00 : f32
        %broadcast_in_dim3A_83 = vector.broadcast %broadcast_in_dim3A_82 : f32 to vector<1x16xf32>
        %swap3A_84 = arith.constant 0 : index
        %swap3A_85 = arith.constant 0 : index
        %swap3A_86 = vector.load %arg11[%swap3A_84, %swap3A_85] : memref<1x16xf32, #tpu.memory_space<vmem>>, vector<1x16xf32>
        tpu.vector_store %arg11[%swap3A_84, %swap3A_85], %broadcast_in_dim3A_83 {strides = array<i32>} : memref<1x16xf32, #tpu.memory_space<vmem>>, vector<1x16xf32>,
      } else {
      }
      %get3A = arith.constant 0 : index
      %get3A_13 = arith.constant 0 : index
      %get3A_14 = vector.load %arg2[%get3A, %get3A_13] : memref<512x768xf32, #tpu.memory_space<vmem>>, vector<512x768xf32>
      %get3A_15 = arith.constant 0 : index
      %get3A_16 = arith.constant 0 : index
      %get3A_17 = vector.load %arg3[%get3A_15, %get3A_16] : memref<16x768xf32, #tpu.memory_space<vmem>>, vector<16x768xf32>
      %dot_general3A = arith.constant dense<0.000000e+00> : vector<512x16xf32>
      %dot_general3A_18 = tpu.matmul %get3A_14, %get3A_17, %dot_general3A {dimension_numbers = #tpu.dot_dimension_numbers<[1], [1], [0], [0], [0, 0, 1, 0], [], []>, transpose_lhs_hint = false} : vector<512x768xf32>, vector<16x768xf32>, vector<512x16xf32> -> vector<512x16xf32>
      %get3A_19 = arith.constant 0 : index
      %get3A_20 = arith.constant 0 : index
      %get3A_21 = vector.load %arg4[%get3A_19, %get3A_20] : memref<8x16xf32, #tpu.memory_space<vmem>>, vector<8x16xf32>
      %mul3A_22 = arith.mulf %get3A_21, %get3A_21 : vector<8x16xf32>
      %reduce_sum3A = arith.constant dense<0.000000e+00> : vector<8xf32>
      %reduce_sum3A_23 = vector.multi_reduction <add>, %mul3A_22, %reduce_sum3A [1] : vector<8x16xf32> to vector<8xf32>
      %broadcast_in_dim3A = vector.shape_cast %reduce_sum3A_23 : vector<8xf32> to vector<8x1xf32>
      %sqrt3A = math.sqrt %broadcast_in_dim3A : vector<8x1xf32>
      %max3A = arith.constant 9.99999974E-5 : f32
      %max3A_24 = vector.broadcast %max3A : f32 to vector<8x1xf32>
      %max3A_25 = arith.maximumf %sqrt3A, %max3A_24 : vector<8x1xf32>
      %div3A = vector.broadcast %max3A_25 : vector<8x1xf32> to vector<8x16xf32>
      %div3A_26 = arith.divf %get3A_21, %div3A : vector<8x16xf32>
      %dot_general3A_27 = arith.constant dense<0.000000e+00> : vector<512x8xf32>
      %dot_general3A_28 = tpu.matmul %dot_general3A_18, %div3A_26, %dot_general3A_27 {dimension_numbers = #tpu.dot_dimension_numbers<[1], [1], [0], [0], [0, 0, 1, 0], [], []>, transpose_lhs_hint = false} : vector<512x16xf32>, vector<8x16xf32>, vector<512x8xf32> -> vector<512x8xf32>
      %reduce_max3A = arith.constant dense<0xFF800000> : vector<512xf32>
      %reduce_max3A_29 = vector.multi_reduction <maximumf>, %dot_general3A_28, %reduce_max3A [1] : vector<512x8xf32> to vector<512xf32>
      %broadcast_in_dim3A_30 = vector.shape_cast %reduce_max3A_29 : vector<512xf32> to vector<512x1xf32>
      %sub3A = vector.broadcast %broadcast_in_dim3A_30 : vector<512x1xf32> to vector<512x8xf32>
      %sub3A_31 = arith.subf %dot_general3A_28, %sub3A : vector<512x8xf32>
      %exp3A = math.exp %sub3A_31 : vector<512x8xf32>
      %reduce_sum3A_32 = arith.constant dense<0.000000e+00> : vector<512xf32>
      %reduce_sum3A_33 = vector.multi_reduction <add>, %exp3A, %reduce_sum3A_32 [1] : vector<512x8xf32> to vector<512xf32>
      %broadcast_in_dim3A_34 = vector.shape_cast %reduce_sum3A_33 : vector<512xf32> to vector<512x1xf32>
      %iota3A = tpu.iota {dimensions = array<i32: 1>} : vector<512x8xi32>
      %eq3A_35 = vector.broadcast %broadcast_in_dim3A_30 : vector<512x1xf32> to vector<512x8xf32>
      %eq3A_36 = arith.cmpf oeq, %dot_general3A_28, %eq3A_35 : vector<512x8xf32>
      %jit3A = arith.constant 8 : i32
      %broadcast_in_dim3A_37 = vector.broadcast %jit3A : i32 to vector<512x8xi32>
      %select_n3A = arith.select %eq3A_36, %iota3A, %broadcast_in_dim3A_37 : vector<512x8xi1>, vector<512x8xi32>
      %reduce_min3A = arith.constant dense<2147483647> : vector<512xi32>
      %reduce_min3A_38 = vector.multi_reduction <minsi>, %select_n3A, %reduce_min3A [1] : vector<512x8xi32> to vector<512xi32>
      %broadcast_in_dim3A_39 = vector.shape_cast %reduce_min3A_38 : vector<512xi32> to vector<512x1xi32>
      %swap3A = arith.index_cast %mul3A_0 : i32 to index
      %swap3A_40 = arith.constant 0 : index
      %swap3A_41 = vector.load %arg8[%swap3A, %swap3A_40] : memref<2048x1xi32, #tpu.memory_space<vmem>>, vector<512x1xi32>
      tpu.vector_store %arg8[%swap3A, %swap3A_40], %broadcast_in_dim3A_39 {strides = array<i32>} : memref<2048x1xi32, #tpu.memory_space<vmem>>, vector<512x1xi32>,
      %div3A_42 = arith.constant 1.000000e+00 : f32
      %div3A_43 = vector.broadcast %div3A_42 : f32 to vector<512x1xf32>
      %div3A_44 = arith.divf %div3A_43, %broadcast_in_dim3A_34 : vector<512x1xf32>
      %swap3A_45 = arith.index_cast %mul3A_0 : i32 to index
      %swap3A_46 = arith.constant 0 : index
      %swap3A_47 = vector.load %arg10[%swap3A_45, %swap3A_46] : memref<2048x1xf32, #tpu.memory_space<vmem>>, vector<512x1xf32>
      tpu.vector_store %arg10[%swap3A_45, %swap3A_46], %div3A_44 {strides = array<i32>} : memref<2048x1xf32, #tpu.memory_space<vmem>>, vector<512x1xf32>,
      %iota3A_48 = tpu.iota {dimensions = array<i32: 1>} : vector<512x16xi32>
      %eq3A_49 = vector.broadcast %broadcast_in_dim3A_39 : vector<512x1xi32> to vector<512x16xi32>
      %eq3A_50 = arith.cmpi eq, %iota3A_48, %eq3A_49 : vector<512x16xi32>
      %convert_element_type3A_51 = arith.extui %eq3A_50 : vector<512x16xi1> to vector<512x16xi32>
      %convert_element_type3A_52 = arith.sitofp %convert_element_type3A_51 : vector<512x16xi32> to vector<512x16xf32>
      %iota3A_53 = tpu.iota {dimensions = array<i32: 0>} : vector<512x512xi32>
      %iota3A_54 = tpu.iota {dimensions = array<i32: 1>} : vector<512x512xi32>
      %gt3A = arith.cmpi sgt, %iota3A_53, %iota3A_54 : vector<512x512xi32>
      %convert_element_type3A_55 = arith.extui %gt3A : vector<512x512xi1> to vector<512x512xi32>
      %convert_element_type3A_56 = arith.sitofp %convert_element_type3A_55 : vector<512x512xi32> to vector<512x512xf32>
      %convert_element_type3A_57 = arith.truncf %convert_element_type3A_56 : vector<512x512xf32> to vector<512x512xbf16>
      %convert_element_type3A_58 = arith.truncf %convert_element_type3A_52 : vector<512x16xf32> to vector<512x16xbf16>
      %dot_general3A_59 = arith.constant dense<0.000000e+00> : vector<512x16xf32>
      %dot_general3A_60 = tpu.matmul %convert_element_type3A_57, %convert_element_type3A_58, %dot_general3A_59 {dimension_numbers = #tpu.dot_dimension_numbers<[1], [0], [0], [1], [0, 0, 1, 1], [], []>, transpose_lhs_hint = false} : vector<512x512xbf16>, vector<512x16xbf16>, vector<512x16xf32> -> vector<512x16xf32>
      %get3A_61 = arith.constant 0 : index
      %get3A_62 = arith.constant 0 : index
      %get3A_63 = vector.load %arg11[%get3A_61, %get3A_62] : memref<1x16xf32, #tpu.memory_space<vmem>>, vector<1x16xf32>
      %add3A = vector.broadcast %get3A_63 : vector<1x16xf32> to vector<512x16xf32>
      %add3A_64 = arith.addf %dot_general3A_60, %add3A : vector<512x16xf32>
      %mul3A_65 = arith.mulf %add3A_64, %convert_element_type3A_52 : vector<512x16xf32>
      %reduce_sum3A_66 = arith.constant dense<0.000000e+00> : vector<512xf32>
      %reduce_sum3A_67 = vector.multi_reduction <add>, %mul3A_65, %reduce_sum3A_66 [1] : vector<512x16xf32> to vector<512xf32>
      %broadcast_in_dim3A_68 = vector.shape_cast %reduce_sum3A_67 : vector<512xf32> to vector<512x1xf32>
      %swap3A_69 = arith.index_cast %mul3A_0 : i32 to index
      %swap3A_70 = arith.constant 0 : index
      %swap3A_71 = vector.load %arg9[%swap3A_69, %swap3A_70] : memref<2048x1xf32, #tpu.memory_space<vmem>>, vector<512x1xf32>
      tpu.vector_store %arg9[%swap3A_69, %swap3A_70], %broadcast_in_dim3A_68 {strides = array<i32>} : memref<2048x1xf32, #tpu.memory_space<vmem>>, vector<512x1xf32>,
      %get3A_72 = arith.constant 0 : index
      %get3A_73 = arith.constant 0 : index
      %get3A_74 = vector.load %arg11[%get3A_72, %get3A_73] : memref<1x16xf32, #tpu.memory_space<vmem>>, vector<1x16xf32>
      %reduce_sum3A_75 = arith.constant dense<0.000000e+00> : vector<16xf32>
      %reduce_sum3A_76 = vector.multi_reduction <add>, %convert_element_type3A_52, %reduce_sum3A_75 [0] : vector<512x16xf32> to vector<16xf32>
      %broadcast_in_dim3A_77 = vector.shape_cast %reduce_sum3A_76 : vector<16xf32> to vector<1x16xf32>
      %add3A_78 = arith.addf %get3A_74, %broadcast_in_dim3A_77 : vector<1x16xf32>
      %swap3A_79 = arith.constant 0 : index
      %swap3A_80 = arith.constant 0 : index
      %swap3A_81 = vector.load %arg11[%swap3A_79, %swap3A_80] : memref<1x16xf32, #tpu.memory_space<vmem>>, vector<1x16xf32>
      tpu.vector_store %arg11[%swap3A_79, %swap3A_80], %add3A_78 {strides = array<i32>} : memref<1x16xf32, #tpu.memory_space<vmem>>, vector<1x16xf32>,
    } else {
    }
    %eq3A_3 = arith.constant 1 : i32
    %eq3A_4 = arith.cmpi eq, %arg0, %eq3A_3 : i32
    %convert_element_type3A_5 = arith.extui %eq3A_4 : i1 to i32
    %cond3A_6 = arith.constant 0 : i32
    %cond3A_7 = arith.cmpi ne, %convert_element_type3A_5, %cond3A_6 : i32
    scf.if %cond3A_7 {
      %get3A = arith.constant 0 : index
      %get3A_8 = arith.constant 0 : index
      %get3A_9 = vector.load %arg11[%get3A, %get3A_8] : memref<1x16xf32, #tpu.memory_space<vmem>>, vector<1x16xf32>
      %iota3A = tpu.iota {dimensions = array<i32: 0>} : vector<16x16xi32>
      %iota3A_10 = tpu.iota {dimensions = array<i32: 1>} : vector<16x16xi32>
      %lt3A = arith.cmpi slt, %iota3A, %iota3A_10 : vector<16x16xi32>
      %convert_element_type3A_11 = arith.extui %lt3A : vector<16x16xi1> to vector<16x16xi32>
      %convert_element_type3A_12 = arith.sitofp %convert_element_type3A_11 : vector<16x16xi32> to vector<16x16xf32>
      %eq3A_13 = arith.cmpi eq, %iota3A, %iota3A_10 : vector<16x16xi32>
      %convert_element_type3A_14 = arith.extui %eq3A_13 : vector<16x16xi1> to vector<16x16xi32>
      %convert_element_type3A_15 = arith.sitofp %convert_element_type3A_14 : vector<16x16xi32> to vector<16x16xf32>
      %dot_general3A = arith.constant dense<0.000000e+00> : vector<1x16xf32>
      %dot_general3A_16 = tpu.matmul %get3A_9, %convert_element_type3A_12, %dot_general3A {dimension_numbers = #tpu.dot_dimension_numbers<[1], [0], [0], [1], [0, 0, 1, 1], [], []>, precision = #tpu.contract_precision<fp32>, transpose_lhs_hint = false} : vector<1x16xf32>, vector<16x16xf32>, vector<1x16xf32> -> vector<1x16xf32>
      %add3A = arith.addf %dot_general3A_16, %get3A_9 : vector<1x16xf32>
      %div3A = arith.constant 2.560000e+02 : f32
      %div3A_17 = vector.broadcast %div3A : f32 to vector<1x16xf32>
      %div3A_18 = arith.divf %dot_general3A_16, %div3A_17 : vector<1x16xf32>
      %floor3A = math.floor %div3A_18 : vector<1x16xf32>
      %sub3A = arith.constant 1.000000e+00 : f32
      %sub3A_19 = vector.broadcast %sub3A : f32 to vector<1x16xf32>
      %sub3A_20 = arith.subf %add3A, %sub3A_19 : vector<1x16xf32>
      %div3A_21 = arith.constant 2.560000e+02 : f32
      %div3A_22 = vector.broadcast %div3A_21 : f32 to vector<1x16xf32>
      %div3A_23 = arith.divf %sub3A_20, %div3A_22 : vector<1x16xf32>
      %floor3A_24 = math.floor %div3A_23 : vector<1x16xf32>
      %gt3A = arith.cmpf ogt, %add3A, %dot_general3A_16 : vector<1x16xf32>
      %sub3A_25 = arith.subf %floor3A_24, %floor3A : vector<1x16xf32>
      %add3A_26 = arith.constant 1.000000e+00 : f32
      %add3A_27 = vector.broadcast %add3A_26 : f32 to vector<1x16xf32>
      %add3A_28 = arith.addf %sub3A_25, %add3A_27 : vector<1x16xf32>
      %jit3A = arith.constant 0.000000e+00 : f32
      %broadcast_in_dim3A = vector.broadcast %jit3A : f32 to vector<1x16xf32>
      %select_n3A = arith.select %gt3A, %add3A_28, %broadcast_in_dim3A : vector<1x16xi1>, vector<1x16xf32>
      %dot_general3A_29 = arith.constant dense<0.000000e+00> : vector<1x16xf32>
      %dot_general3A_30 = tpu.matmul %select_n3A, %convert_element_type3A_12, %dot_general3A_29 {dimension_numbers = #tpu.dot_dimension_numbers<[1], [0], [0], [1], [0, 0, 1, 1], [], []>, precision = #tpu.contract_precision<fp32>, transpose_lhs_hint = false} : vector<1x16xf32>, vector<16x16xf32>, vector<1x16xf32> -> vector<1x16xf32>
      %convert_element_type3A_31 = arith.sitofp %iota3A_10 : vector<16x16xi32> to vector<16x16xf32>
      %dot_general3A_32 = arith.constant dense<0.000000e+00> : vector<16x1xf32>
      %dot_general3A_33 = tpu.matmul %convert_element_type3A_15, %dot_general3A_30, %dot_general3A_32 {dimension_numbers = #tpu.dot_dimension_numbers<[1], [1], [0], [0], [0, 0, 1, 0], [], []>, precision = #tpu.contract_precision<fp32>, transpose_lhs_hint = false} : vector<16x16xf32>, vector<1x16xf32>, vector<16x1xf32> -> vector<16x1xf32>
      %ge3A = vector.broadcast %dot_general3A_33 : vector<16x1xf32> to vector<16x16xf32>
      %ge3A_34 = arith.cmpf oge, %convert_element_type3A_31, %ge3A : vector<16x16xf32>
      %dot_general3A_35 = arith.constant dense<0.000000e+00> : vector<16x1xf32>
      %dot_general3A_36 = tpu.matmul %convert_element_type3A_15, %dot_general3A_30, %dot_general3A_35 {dimension_numbers = #tpu.dot_dimension_numbers<[1], [1], [0], [0], [0, 0, 1, 0], [], []>, precision = #tpu.contract_precision<fp32>, transpose_lhs_hint = false} : vector<16x16xf32>, vector<1x16xf32>, vector<16x1xf32> -> vector<16x1xf32>
      %dot_general3A_37 = arith.constant dense<0.000000e+00> : vector<16x1xf32>
      %dot_general3A_38 = tpu.matmul %convert_element_type3A_15, %select_n3A, %dot_general3A_37 {dimension_numbers = #tpu.dot_dimension_numbers<[1], [1], [0], [0], [0, 0, 1, 0], [], []>, precision = #tpu.contract_precision<fp32>, transpose_lhs_hint = false} : vector<16x16xf32>, vector<1x16xf32>, vector<16x1xf32> -> vector<16x1xf32>
      %add3A_39 = arith.addf %dot_general3A_36, %dot_general3A_38 : vector<16x1xf32>
      %lt3A_40 = vector.broadcast %add3A_39 : vector<16x1xf32> to vector<16x16xf32>
      %lt3A_41 = arith.cmpf olt, %convert_element_type3A_31, %lt3A_40 : vector<16x16xf32>
      %and3A = arith.andi %ge3A_34, %lt3A_41 : vector<16x16xi1>
      %convert_element_type3A_42 = arith.extui %and3A : vector<16x16xi1> to vector<16x16xi32>
      %convert_element_type3A_43 = arith.sitofp %convert_element_type3A_42 : vector<16x16xi32> to vector<16x16xf32>
      %iota3A_44 = tpu.iota {dimensions = array<i32: 1>} : vector<1x16xi32>
      %convert_element_type3A_45 = arith.sitofp %iota3A_44 : vector<1x16xi32> to vector<1x16xf32>
      %broadcast_in_dim3A_46 = arith.constant 1.000000e+00 : f32
      %broadcast_in_dim3A_47 = vector.broadcast %broadcast_in_dim3A_46 : f32 to vector<1x16xf32>
      %dot_general3A_48 = arith.constant dense<0.000000e+00> : vector<1x16xf32>
      %dot_general3A_49 = tpu.matmul %broadcast_in_dim3A_47, %convert_element_type3A_43, %dot_general3A_48 {dimension_numbers = #tpu.dot_dimension_numbers<[1], [0], [0], [1], [0, 0, 1, 1], [], []>, precision = #tpu.contract_precision<fp32>, transpose_lhs_hint = false} : vector<1x16xf32>, vector<16x16xf32>, vector<1x16xf32> -> vector<1x16xf32>
      %dot_general3A_50 = arith.constant dense<0.000000e+00> : vector<1x16xf32>
      %dot_general3A_51 = tpu.matmul %convert_element_type3A_45, %convert_element_type3A_43, %dot_general3A_50 {dimension_numbers = #tpu.dot_dimension_numbers<[1], [0], [0], [1], [0, 0, 1, 1], [], []>, precision = #tpu.contract_precision<fp32>, transpose_lhs_hint = false} : vector<1x16xf32>, vector<16x16xf32>, vector<1x16xf32> -> vector<1x16xf32>
      %sub3A_52 = arith.subf %floor3A, %dot_general3A_30 : vector<1x16xf32>
      %dot_general3A_53 = arith.constant dense<0.000000e+00> : vector<1x16xf32>
      %dot_general3A_54 = tpu.matmul %sub3A_52, %convert_element_type3A_43, %dot_general3A_53 {dimension_numbers = #tpu.dot_dimension_numbers<[1], [0], [0], [1], [0, 0, 1, 1], [], []>, precision = #tpu.contract_precision<fp32>, transpose_lhs_hint = false} : vector<1x16xf32>, vector<16x16xf32>, vector<1x16xf32> -> vector<1x16xf32>
      %add3A_55 = arith.addf %dot_general3A_54, %convert_element_type3A_45 : vector<1x16xf32>
      %dot_general3A_56 = arith.constant dense<0.000000e+00> : vector<1x16xf32>
      %dot_general3A_57 = tpu.matmul %dot_general3A_16, %convert_element_type3A_43, %dot_general3A_56 {dimension_numbers = #tpu.dot_dimension_numbers<[1], [0], [0], [1], [0, 0, 1, 1], [], []>, precision = #tpu.contract_precision<fp32>, transpose_lhs_hint = false} : vector<1x16xf32>, vector<16x16xf32>, vector<1x16xf32> -> vector<1x16xf32>
      %dot_general3A_58 = arith.constant dense<0.000000e+00> : vector<1x16xf32>
      %dot_general3A_59 = tpu.matmul %add3A, %convert_element_type3A_43, %dot_general3A_58 {dimension_numbers = #tpu.dot_dimension_numbers<[1], [0], [0], [1], [0, 0, 1, 1], [], []>, precision = #tpu.contract_precision<fp32>, transpose_lhs_hint = false} : vector<1x16xf32>, vector<16x16xf32>, vector<1x16xf32> -> vector<1x16xf32>
      %gt3A_60 = arith.constant 0.000000e+00 : f32
      %gt3A_61 = vector.broadcast %gt3A_60 : f32 to vector<1x16xf32>
      %gt3A_62 = arith.cmpf ogt, %dot_general3A_49, %gt3A_61 : vector<1x16xf32>
      %jit3A_63 = arith.constant 7.000000e+00 : f32
      %broadcast_in_dim3A_64 = vector.broadcast %jit3A_63 : f32 to vector<1x16xf32>
      %select_n3A_65 = arith.select %gt3A_62, %dot_general3A_51, %broadcast_in_dim3A_64 : vector<1x16xi1>, vector<1x16xf32>
      %gt3A_66 = arith.constant 0.000000e+00 : f32
      %gt3A_67 = vector.broadcast %gt3A_66 : f32 to vector<1x16xf32>
      %gt3A_68 = arith.cmpf ogt, %dot_general3A_49, %gt3A_67 : vector<1x16xf32>
      %jit3A_69 = arith.constant 3.000000e+00 : f32
      %broadcast_in_dim3A_70 = vector.broadcast %jit3A_69 : f32 to vector<1x16xf32>
      %select_n3A_71 = arith.select %gt3A_68, %add3A_55, %broadcast_in_dim3A_70 : vector<1x16xi1>, vector<1x16xf32>
      %mul3A_72 = arith.constant 2.560000e+02 : f32
      %mul3A_73 = vector.broadcast %mul3A_72 : f32 to vector<1x16xf32>
      %mul3A_74 = arith.mulf %select_n3A_71, %mul3A_73 : vector<1x16xf32>
      %sub3A_75 = arith.subf %dot_general3A_57, %mul3A_74 : vector<1x16xf32>
      %jit3A_76 = arith.constant 0.000000e+00 : f32
      %jit3A_77 = arith.constant 2.560000e+02 : f32
      %max3A = vector.broadcast %jit3A_76 : f32 to vector<1x16xf32>
      %max3A_78 = arith.maximumf %max3A, %sub3A_75 : vector<1x16xf32>
      %min3A = vector.broadcast %jit3A_77 : f32 to vector<1x16xf32>
      %min3A_79 = arith.minimumf %min3A, %max3A_78 : vector<1x16xf32>
      %mul3A_80 = arith.constant 2.560000e+02 : f32
      %mul3A_81 = vector.broadcast %mul3A_80 : f32 to vector<1x16xf32>
      %mul3A_82 = arith.mulf %select_n3A_71, %mul3A_81 : vector<1x16xf32>
      %sub3A_83 = arith.subf %dot_general3A_59, %mul3A_82 : vector<1x16xf32>
      %jit3A_84 = arith.constant 0.000000e+00 : f32
      %jit3A_85 = arith.constant 2.560000e+02 : f32
      %max3A_86 = vector.broadcast %jit3A_84 : f32 to vector<1x16xf32>
      %max3A_87 = arith.maximumf %max3A_86, %sub3A_83 : vector<1x16xf32>
      %min3A_88 = vector.broadcast %jit3A_85 : f32 to vector<1x16xf32>
      %min3A_89 = arith.minimumf %min3A_88, %max3A_87 : vector<1x16xf32>
      %concatenate3A = tpu.concatenate %select_n3A_65, %select_n3A_71, %min3A_79, %min3A_89 in 0 : vector<1x16xf32>, vector<1x16xf32>, vector<1x16xf32>, vector<1x16xf32> -> vector<4x16xf32>
      %convert_element_type3A_90 = arith.fptosi %concatenate3A : vector<4x16xf32> to vector<4x16xi32>
      %swap3A = arith.constant 0 : index
      %swap3A_91 = arith.constant 0 : index
      %swap3A_92 = vector.load %arg7[%swap3A, %swap3A_91] : memref<4x16xi32, #tpu.memory_space<vmem>>, vector<4x16xi32>
      tpu.vector_store %arg7[%swap3A, %swap3A_91], %convert_element_type3A_90 {strides = array<i32>} : memref<4x16xi32, #tpu.memory_space<vmem>>, vector<4x16xi32>,
      %get3A_93 = arith.index_cast %mul3A_0 : i32 to index
      %get3A_94 = arith.constant 0 : index
      %get3A_95 = vector.load %arg8[%get3A_93, %get3A_94] : memref<2048x1xi32, #tpu.memory_space<vmem>>, vector<512x1xi32>
      %iota3A_96 = tpu.iota {dimensions = array<i32: 1>} : vector<512x16xi32>
      %eq3A_97 = vector.broadcast %get3A_95 : vector<512x1xi32> to vector<512x16xi32>
      %eq3A_98 = arith.cmpi eq, %iota3A_96, %eq3A_97 : vector<512x16xi32>
      %convert_element_type3A_99 = arith.extui %eq3A_98 : vector<512x16xi1> to vector<512x16xi32>
      %convert_element_type3A_100 = arith.sitofp %convert_element_type3A_99 : vector<512x16xi32> to vector<512x16xf32>
      %mul3A_101 = vector.broadcast %dot_general3A_16 : vector<1x16xf32> to vector<512x16xf32>
      %mul3A_102 = arith.mulf %convert_element_type3A_100, %mul3A_101 : vector<512x16xf32>
      %reduce_sum3A = arith.constant dense<0.000000e+00> : vector<512xf32>
      %reduce_sum3A_103 = vector.multi_reduction <add>, %mul3A_102, %reduce_sum3A [1] : vector<512x16xf32> to vector<512xf32>
      %broadcast_in_dim3A_104 = vector.shape_cast %reduce_sum3A_103 : vector<512xf32> to vector<512x1xf32>
      %get3A_105 = arith.index_cast %mul3A_0 : i32 to index
      %get3A_106 = arith.constant 0 : index
      %get3A_107 = vector.load %arg9[%get3A_105, %get3A_106] : memref<2048x1xf32, #tpu.memory_space<vmem>>, vector<512x1xf32>
      %add3A_108 = arith.addf %get3A_107, %broadcast_in_dim3A_104 : vector<512x1xf32>
      %convert_element_type3A_109 = arith.fptosi %add3A_108 : vector<512x1xf32> to vector<512x1xi32>
      %swap3A_110 = arith.constant 0 : index
      %swap3A_111 = arith.constant 0 : index
      %swap3A_112 = vector.load %arg5[%swap3A_110, %swap3A_111] : memref<512x1xi32, #tpu.memory_space<vmem>>, vector<512x1xi32>
      tpu.vector_store %arg5[%swap3A_110, %swap3A_111], %convert_element_type3A_109 {strides = array<i32>} : memref<512x1xi32, #tpu.memory_space<vmem>>, vector<512x1xi32>,
      %get3A_113 = arith.index_cast %mul3A_0 : i32 to index
      %get3A_114 = arith.constant 0 : index
      %get3A_115 = vector.load %arg10[%get3A_113, %get3A_114] : memref<2048x1xf32, #tpu.memory_space<vmem>>, vector<512x1xf32>
      %broadcast_in_dim3A_116 = vector.shape_cast %get3A_115 : vector<512x1xf32> to vector<512x1xf32>
      %broadcast_in_dim3A_117 = vector.broadcast %broadcast_in_dim3A_116 : vector<512x1xf32> to vector<512x128xf32>
      %swap3A_118 = arith.constant 0 : index
      %swap3A_119 = arith.constant 0 : index
      %swap3A_120 = vector.load %arg6[%swap3A_118, %swap3A_119] : memref<512x128xf32, #tpu.memory_space<vmem>>, vector<512x128xf32>
      tpu.vector_store %arg6[%swap3A_118, %swap3A_119], %broadcast_in_dim3A_117 {strides = array<i32>} : memref<512x128xf32, #tpu.memory_space<vmem>>, vector<512x128xf32>,
    } else {
    }
    return
  }
  func.func @transform_0(%arg0: i32, %arg1: i32) -> (i32, i32) {
    %eq3A = arith.constant 0 : i32
    %eq3A_0 = arith.cmpi eq, %arg0, %eq3A : i32
    %jit3A = arith.constant 0 : i32
    %select_n3A = arith.select %eq3A_0, %arg1, %jit3A : i32
    %c0_i32 = arith.constant 0 : i32
    %c0_i32_1 = arith.constant 0 : i32
    return %select_n3A, %c0_i32 : i32, i32
  }
  func.func @transform_1(%arg0: i32, %arg1: i32) -> (i32, i32) {
    %c0_i32 = arith.constant 0 : i32
    %c0_i32_0 = arith.constant 0 : i32
    %c0_i32_1 = arith.constant 0 : i32
    return %c0_i32, %c0_i32_0 : i32, i32
  }
  func.func @transform_2(%arg0: i32, %arg1: i32) -> (i32, i32) {
    %c0_i32 = arith.constant 0 : i32
    %c0_i32_0 = arith.constant 0 : i32
    %c0_i32_1 = arith.constant 0 : i32
    return %c0_i32, %c0_i32_0 : i32, i32
  }
  func.func @transform_3(%arg0: i32, %arg1: i32) -> (i32, i32) {
    %eq3A = arith.constant 0 : i32
    %eq3A_0 = arith.cmpi eq, %arg0, %eq3A : i32
    %jit3A = arith.constant 4 : i32
    %select_n3A = arith.select %eq3A_0, %jit3A, %arg1 : i32
    %c0_i32 = arith.constant 0 : i32
    %c0_i32_1 = arith.constant 0 : i32
    return %select_n3A, %c0_i32 : i32, i32
  }
  func.func @transform_4(%arg0: i32, %arg1: i32) -> (i32, i32) {
    %eq3A = arith.constant 0 : i32
    %eq3A_0 = arith.cmpi eq, %arg0, %eq3A : i32
    %jit3A = arith.constant 4 : i32
    %select_n3A = arith.select %eq3A_0, %jit3A, %arg1 : i32
    %c0_i32 = arith.constant 0 : i32
    %c0_i32_1 = arith.constant 0 : i32
    return %select_n3A, %c0_i32 : i32, i32
  }
  func.func @transform_5(%arg0: i32, %arg1: i32) -> (i32, i32) {
    %c0_i32 = arith.constant 0 : i32
    %c0_i32_0 = arith.constant 0 : i32
    %c0_i32_1 = arith.constant 0 : i32
    return %c0_i32, %c0_i32_0 : i32, i32
  }
}

module attributes {stable_mosaic.version = 14 : i64} {
  func.func @_ffn_body(%arg0: i32, %arg1: i32, %arg2: memref<64xi32, #tpu.memory_space<smem>>, %arg3: memref<2048x768xf32, #tpu.memory_space<vmem>>, %arg4: memref<2048x128xf32, #tpu.memory_space<vmem>>, %arg5: memref<1x768x1536xf32, #tpu.memory_space<vmem>>, %arg6: memref<1x1x1536xf32, #tpu.memory_space<vmem>>, %arg7: memref<1x1536x768xf32, #tpu.memory_space<vmem>>, %arg8: memref<1x1x768xf32, #tpu.memory_space<vmem>>, %arg9: memref<2048x768xf32, #tpu.memory_space<vmem>>) attributes {dimension_semantics = [#tpu.dimension_semantics<arbitrary>, #tpu.dimension_semantics<arbitrary>], iteration_bounds = array<i64: 2, 16>, scalar_prefetch = 1 : i64, scratch_operands = 0 : i64, tpu.core_type = #tpu.core_type<tc>, window_params = [{pipeline_mode = #tpu.pipeline_mode<synchronous>, transform_indices = @transform_0, window_bounds = array<i64: 2048, 768>}, {pipeline_mode = #tpu.pipeline_mode<synchronous>, transform_indices = @transform_1, window_bounds = array<i64: 2048, 128>}, {transform_indices = @transform_2, window_bounds = array<i64: 1, 768, 1536>}, {transform_indices = @transform_3, window_bounds = array<i64: 1, 1, 1536>}, {transform_indices = @transform_4, window_bounds = array<i64: 1, 1536, 768>}, {transform_indices = @transform_5, window_bounds = array<i64: 1, 1, 768>}, {pipeline_mode = #tpu.pipeline_mode<synchronous>, transform_indices = @transform_6, window_bounds = array<i64: 2048, 768>}]} {
    %add3A = arith.constant 16 : i32
    %add3A_0 = arith.addi %add3A, %arg1 : i32
    %get3A = arith.index_cast %add3A_0 : i32 to index
    %get3A_1 = memref.load %arg2[%get3A] : memref<64xi32, #tpu.memory_space<smem>>
    %add3A_2 = arith.constant 32 : i32
    %add3A_3 = arith.addi %add3A_2, %arg1 : i32
    %get3A_4 = arith.index_cast %add3A_3 : i32 to index
    %get3A_5 = memref.load %arg2[%get3A_4] : memref<64xi32, #tpu.memory_space<smem>>
    %add3A_6 = arith.constant 48 : i32
    %add3A_7 = arith.addi %add3A_6, %arg1 : i32
    %get3A_8 = arith.index_cast %add3A_7 : i32 to index
    %get3A_9 = memref.load %arg2[%get3A_8] : memref<64xi32, #tpu.memory_space<smem>>
    %mul3A = arith.constant 256 : i32
    %mul3A_10 = arith.muli %get3A_1, %mul3A : i32
    %eq3A = arith.constant 0 : i32
    %eq3A_11 = arith.cmpi eq, %arg0, %eq3A : i32
    %eq3A_12 = arith.constant 0 : i32
    %eq3A_13 = arith.cmpi eq, %arg1, %eq3A_12 : i32
    %and3A = arith.andi %eq3A_11, %eq3A_13 : i1
    %convert_element_type3A = arith.extui %and3A : i1 to i32
    %cond3A = arith.constant 0 : i32
    %cond3A_14 = arith.cmpi ne, %convert_element_type3A, %cond3A : i32
    scf.if %cond3A_14 {
      %broadcast_in_dim3A = arith.constant 0.000000e+00 : f32
      %broadcast_in_dim3A_18 = vector.broadcast %broadcast_in_dim3A : f32 to vector<2048x768xf32>
      %swap3A = arith.constant 0 : index
      %swap3A_19 = arith.constant 0 : index
      %swap3A_20 = vector.load %arg9[%swap3A, %swap3A_19] : memref<2048x768xf32, #tpu.memory_space<vmem>>, vector<2048x768xf32>
      tpu.vector_store %arg9[%swap3A, %swap3A_19], %broadcast_in_dim3A_18 {strides = array<i32>} : memref<2048x768xf32, #tpu.memory_space<vmem>>, vector<2048x768xf32>,
    } else {
    }
    %gt3A = arith.cmpi sgt, %get3A_9, %get3A_5 : i32
    %convert_element_type3A_15 = arith.extui %gt3A : i1 to i32
    %cond3A_16 = arith.constant 0 : i32
    %cond3A_17 = arith.cmpi ne, %convert_element_type3A_15, %cond3A_16 : i32
    scf.if %cond3A_17 {
      %get3A_18 = arith.index_cast %mul3A_10 : i32 to index
      %get3A_19 = arith.constant 0 : index
      %get3A_20 = vector.load %arg3[%get3A_18, %get3A_19] : memref<2048x768xf32, #tpu.memory_space<vmem>>, vector<256x768xf32>
      %convert_element_type3A_21 = arith.truncf %get3A_20 : vector<256x768xf32> to vector<256x768xbf16>
      %get3A_22 = arith.constant 0 : index
      %get3A_23 = arith.constant 0 : index
      %get3A_24 = arith.constant 0 : index
      %get3A_25 = vector.load %arg5[%get3A_22, %get3A_23, %get3A_24] : memref<1x768x1536xf32, #tpu.memory_space<vmem>>, vector<1x768x1536xf32>
      %get3A_26 = vector.shape_cast %get3A_25 : vector<1x768x1536xf32> to vector<768x1536xf32>
      %convert_element_type3A_27 = arith.truncf %get3A_26 : vector<768x1536xf32> to vector<768x1536xbf16>
      %dot_general3A = arith.constant dense<0.000000e+00> : vector<256x1536xf32>
      %dot_general3A_28 = tpu.matmul %convert_element_type3A_21, %convert_element_type3A_27, %dot_general3A {dimension_numbers = #tpu.dot_dimension_numbers<[1], [0], [0], [1], [0, 0, 1, 1], [], []>, transpose_lhs_hint = false} : vector<256x768xbf16>, vector<768x1536xbf16>, vector<256x1536xf32> -> vector<256x1536xf32>
      %get3A_29 = arith.constant 0 : index
      %get3A_30 = arith.constant 0 : index
      %get3A_31 = arith.constant 0 : index
      %get3A_32 = vector.load %arg6[%get3A_29, %get3A_30, %get3A_31] : memref<1x1x1536xf32, #tpu.memory_space<vmem>>, vector<1x1x1536xf32>
      %get3A_33 = vector.shape_cast %get3A_32 : vector<1x1x1536xf32> to vector<1x1536xf32>
      %add3A_34 = vector.broadcast %get3A_33 : vector<1x1536xf32> to vector<256x1536xf32>
      %add3A_35 = arith.addf %dot_general3A_28, %add3A_34 : vector<256x1536xf32>
      %mul3A_36 = arith.constant 5.000000e-01 : f32
      %mul3A_37 = vector.broadcast %mul3A_36 : f32 to vector<256x1536xf32>
      %mul3A_38 = arith.mulf %mul3A_37, %add3A_35 : vector<256x1536xf32>
      %mul3A_39 = arith.constant 0.707106769 : f32
      %mul3A_40 = vector.broadcast %mul3A_39 : f32 to vector<256x1536xf32>
      %mul3A_41 = arith.mulf %add3A_35, %mul3A_40 : vector<256x1536xf32>
      %erf3A = math.erf %mul3A_41 : vector<256x1536xf32>
      %add3A_42 = arith.constant 1.000000e+00 : f32
      %add3A_43 = vector.broadcast %add3A_42 : f32 to vector<256x1536xf32>
      %add3A_44 = arith.addf %add3A_43, %erf3A : vector<256x1536xf32>
      %mul3A_45 = arith.mulf %mul3A_38, %add3A_44 : vector<256x1536xf32>
      %convert_element_type3A_46 = arith.truncf %mul3A_45 : vector<256x1536xf32> to vector<256x1536xbf16>
      %get3A_47 = arith.constant 0 : index
      %get3A_48 = arith.constant 0 : index
      %get3A_49 = arith.constant 0 : index
      %get3A_50 = vector.load %arg7[%get3A_47, %get3A_48, %get3A_49] : memref<1x1536x768xf32, #tpu.memory_space<vmem>>, vector<1x1536x768xf32>
      %get3A_51 = vector.shape_cast %get3A_50 : vector<1x1536x768xf32> to vector<1536x768xf32>
      %convert_element_type3A_52 = arith.truncf %get3A_51 : vector<1536x768xf32> to vector<1536x768xbf16>
      %dot_general3A_53 = arith.constant dense<0.000000e+00> : vector<256x768xf32>
      %dot_general3A_54 = tpu.matmul %convert_element_type3A_46, %convert_element_type3A_52, %dot_general3A_53 {dimension_numbers = #tpu.dot_dimension_numbers<[1], [0], [0], [1], [0, 0, 1, 1], [], []>, transpose_lhs_hint = false} : vector<256x1536xbf16>, vector<1536x768xbf16>, vector<256x768xf32> -> vector<256x768xf32>
      %eq3A_55 = arith.constant 0 : i32
      %eq3A_56 = arith.cmpi eq, %arg0, %eq3A_55 : i32
      %jit3A = arith.constant 1.000000e+00 : f32
      %jit3A_57 = arith.constant 0.000000e+00 : f32
      %select_n3A = arith.select %eq3A_56, %jit3A, %jit3A_57 : f32
      %get3A_58 = arith.constant 0 : index
      %get3A_59 = arith.constant 0 : index
      %get3A_60 = arith.constant 0 : index
      %get3A_61 = vector.load %arg8[%get3A_58, %get3A_59, %get3A_60] : memref<1x1x768xf32, #tpu.memory_space<vmem>>, vector<1x1x768xf32>
      %get3A_62 = vector.shape_cast %get3A_61 : vector<1x1x768xf32> to vector<1x768xf32>
      %mul3A_63 = vector.broadcast %select_n3A : f32 to vector<1x768xf32>
      %mul3A_64 = arith.mulf %mul3A_63, %get3A_62 : vector<1x768xf32>
      %add3A_65 = vector.broadcast %mul3A_64 : vector<1x768xf32> to vector<256x768xf32>
      %add3A_66 = arith.addf %dot_general3A_54, %add3A_65 : vector<256x768xf32>
      %get3A_67 = arith.index_cast %mul3A_10 : i32 to index
      %get3A_68 = arith.constant 0 : index
      %get3A_69 = vector.load %arg4[%get3A_67, %get3A_68] : memref<2048x128xf32, #tpu.memory_space<vmem>>, vector<256x1xf32>
      %mul3A_70 = vector.broadcast %get3A_69 : vector<256x1xf32> to vector<256x768xf32>
      %mul3A_71 = arith.mulf %add3A_66, %mul3A_70 : vector<256x768xf32>
      %iota3A = tpu.iota {dimensions = array<i32: 0>} : vector<256x1xi32>
      %ge3A = vector.broadcast %get3A_5 : i32 to vector<256x1xi32>
      %ge3A_72 = arith.cmpi sge, %iota3A, %ge3A : vector<256x1xi32>
      %lt3A = vector.broadcast %get3A_9 : i32 to vector<256x1xi32>
      %lt3A_73 = arith.cmpi slt, %iota3A, %lt3A : vector<256x1xi32>
      %and3A_74 = arith.andi %ge3A_72, %lt3A_73 : vector<256x1xi1>
      %get3A_75 = arith.index_cast %mul3A_10 : i32 to index
      %get3A_76 = arith.constant 0 : index
      %get3A_77 = vector.load %arg9[%get3A_75, %get3A_76] : memref<2048x768xf32, #tpu.memory_space<vmem>>, vector<256x768xf32>
      %jit3A_78 = arith.constant 0.000000e+00 : f32
      %broadcast_in_dim3A = vector.shape_cast %and3A_74 : vector<256x1xi1> to vector<256x1xi1>
      %broadcast_in_dim3A_79 = vector.broadcast %broadcast_in_dim3A : vector<256x1xi1> to vector<256x768xi1>
      %broadcast_in_dim3A_80 = vector.broadcast %jit3A_78 : f32 to vector<256x768xf32>
      %select_n3A_81 = arith.select %broadcast_in_dim3A_79, %mul3A_71, %broadcast_in_dim3A_80 : vector<256x768xi1>, vector<256x768xf32>
      %add3A_82 = arith.addf %get3A_77, %select_n3A_81 : vector<256x768xf32>
      %swap3A = arith.index_cast %mul3A_10 : i32 to index
      %swap3A_83 = arith.constant 0 : index
      %swap3A_84 = vector.load %arg9[%swap3A, %swap3A_83] : memref<2048x768xf32, #tpu.memory_space<vmem>>, vector<256x768xf32>
      tpu.vector_store %arg9[%swap3A, %swap3A_83], %add3A_82 {strides = array<i32>} : memref<2048x768xf32, #tpu.memory_space<vmem>>, vector<256x768xf32>,
    } else {
    }
    return
  }
  func.func @transform_0(%arg0: i32, %arg1: i32, %arg2: memref<64xi32, #tpu.memory_space<smem>>) -> (i32, i32) {
    %c0_i32 = arith.constant 0 : i32
    %c0_i32_0 = arith.constant 0 : i32
    %c0_i32_1 = arith.constant 0 : i32
    return %c0_i32, %c0_i32_0 : i32, i32
  }
  func.func @transform_1(%arg0: i32, %arg1: i32, %arg2: memref<64xi32, #tpu.memory_space<smem>>) -> (i32, i32) {
    %c0_i32 = arith.constant 0 : i32
    %c0_i32_0 = arith.constant 0 : i32
    %c0_i32_1 = arith.constant 0 : i32
    return %c0_i32, %c0_i32_0 : i32, i32
  }
  func.func @transform_2(%arg0: i32, %arg1: i32, %arg2: memref<64xi32, #tpu.memory_space<smem>>) -> (i32, i32, i32) {
    %get3A = arith.index_cast %arg1 : i32 to index
    %get3A_0 = memref.load %arg2[%get3A] : memref<64xi32, #tpu.memory_space<smem>>
    %c0_i32 = arith.constant 0 : i32
    %c0_i32_1 = arith.constant 0 : i32
    return %get3A_0, %c0_i32, %arg0 : i32, i32, i32
  }
  func.func @transform_3(%arg0: i32, %arg1: i32, %arg2: memref<64xi32, #tpu.memory_space<smem>>) -> (i32, i32, i32) {
    %get3A = arith.index_cast %arg1 : i32 to index
    %get3A_0 = memref.load %arg2[%get3A] : memref<64xi32, #tpu.memory_space<smem>>
    %c0_i32 = arith.constant 0 : i32
    %c0_i32_1 = arith.constant 0 : i32
    return %get3A_0, %c0_i32, %arg0 : i32, i32, i32
  }
  func.func @transform_4(%arg0: i32, %arg1: i32, %arg2: memref<64xi32, #tpu.memory_space<smem>>) -> (i32, i32, i32) {
    %get3A = arith.index_cast %arg1 : i32 to index
    %get3A_0 = memref.load %arg2[%get3A] : memref<64xi32, #tpu.memory_space<smem>>
    %c0_i32 = arith.constant 0 : i32
    %c0_i32_1 = arith.constant 0 : i32
    return %get3A_0, %arg0, %c0_i32 : i32, i32, i32
  }
  func.func @transform_5(%arg0: i32, %arg1: i32, %arg2: memref<64xi32, #tpu.memory_space<smem>>) -> (i32, i32, i32) {
    %get3A = arith.index_cast %arg1 : i32 to index
    %get3A_0 = memref.load %arg2[%get3A] : memref<64xi32, #tpu.memory_space<smem>>
    %c0_i32 = arith.constant 0 : i32
    %c0_i32_1 = arith.constant 0 : i32
    %c0_i32_2 = arith.constant 0 : i32
    return %get3A_0, %c0_i32, %c0_i32_1 : i32, i32, i32
  }
  func.func @transform_6(%arg0: i32, %arg1: i32, %arg2: memref<64xi32, #tpu.memory_space<smem>>) -> (i32, i32) {
    %c0_i32 = arith.constant 0 : i32
    %c0_i32_0 = arith.constant 0 : i32
    %c0_i32_1 = arith.constant 0 : i32
    return %c0_i32, %c0_i32_0 : i32, i32
  }
}

</mosaic_0001>

<sc_bundles>
// kernel: kernel.6.cloned.1.call-start
scs
__scs_entry_jumppad:
0x0: {  	(pc) =	sbr.rel $0x88, $3  }
0x1: {  	(tag) =	ssettag $0x0;
	lr =	simm.s32 $0x1  }
0x2: {  	[smem:$0x3F9A] =	sst lr;
	_ =	strace $0xD0000000  }
0x3: {  	_ = 	snop  }
0x4: {  	_ = 	snop  }
0x5: {  	_ = 	snop  }
0x6: {  	_ = 	snop  }
0x7: {  	_ = 	snop  }
__scs_overlays_trampoline_lowered:
0x8: {  	[smem:$0x3FA9] =	sst s0  }
0x9: {  	[smem:$0x3FAA] =	sst s1  }
0xa: {  	[smem:$0x3FAB] =	sst s2  }
0xb: {  	[smem:$0x3FAC] =	sst s3  }
0xc: {  	[smem:$0x3FAD] =	sst s4  }
0xd: {  	[smem:$0x3FAE] =	sst s5  }
0xe: {  	[smem:$0x3FAF] =	sst s6  }
0xf: {  	[smem:$0x3FB0] =	sst s7  }
0x10: {  	[smem:$0x3FB1] =	sst s8  }
0x11: {  	[smem:$0x3FB2] =	sst s9;
	s0 =	simm.s32 @!p0 $0x0  }
0x12: {  	s1 =	sld [smem:$0x3F98];
	s0 =	simm.s32 @p0 $0x1  }
0x13: {  	[smem:$0x3FB3] =	sst s0;
	s0 =	simm.s32 @!p1 $0x0  }
0x14: {  	s2 =	sld [smem:$0x3F97];
	s0 =	simm.s32 @p1 $0x1  }
0x15: {  	[smem:$0x3FB4] =	sst s0;
	s0 =	simm.s32 @!p2 $0x0  }
0x16: {  	s3 =	sld [smem:$0x3FDB];
	s0 =	simm.s32 @p2 $0x1  }
0x17: {  	s4 =	simm.s32 $0x1BF5;
	[smem:$0x3FB6] =	sst s0  }
0x18: {  	s0 =	sld [smem:$0x3F99];
	_ =	swait.ge [sflag:s4], $0x0  }
0x19: {  	s7 =	sld [smem:$0x3F9A]  }
0x1a: {  	s8 =	sadd.s32 $0xFFFFE003, lr  }
0x1b: {  	s9 =	sadd.s32 $0xFFFFFEF7, lr;
	s5 =	simm.s32 $0xFFFFFFFF;
	p2 =	slt.u32 s8, $0xFFFFF086  }
0x1c: {  	p1 =	slt.u32 s9, $0xF7A;
	s5 =	simm.s32 @!p2 $0x0  }
0x1d: {  	s5 =	simm.s32 @p1 $0x1;
	p0 =	seq.s32 s7, s2  }
0x1e: {  	s7 =	smul.u32 @!p0 $0xF7A, s2;
	p2 =	seq.s32 @!p0 s5, $0x0  }
0x1f: {  	s9 =	smul.u32 $0xF7A, s1;
	s8 =	simm.s32 @!p0 $0x1BF5;
	p2 =	por !p2, p0  }
0x20: {  	[sflag:s8] =	ssyncset.s32 @!p0 $0xFFFFF086;
	s6 =	sadd.s32 @!p0 s3, s7;
	s7 =	simm.s32 @!p0 $0x108  }
0x21: {  	s3 =	sadd.s32 s3, s9;
	s6 =	sadd.s32 @!p0 $0x88, s6;
	s7 =	simm.s32 @p2 $0x1082  }
0x22: {  	[simem:s7], [sflag:s8] =	dma.local @!p0 [hbm:s6], $0xF7A  }
0x23: {  	s9 =	sor.u32 $0xD0000000, s2;
	s6 =	simm.s32 $0x108;
	_ =	swait.ge @!p0 [sflag:s8], $0x0  }
0x24: {  	s3 =	sadd.s32 $0x88, s3;
	s6 =	simm.s32 @!p1 $0x1082;
	[sflag:s4] =	ssyncset.s32 $0xFFFFF086  }
0x25: {  	[simem:s6], [sflag:s4] =	dma.local [hbm:s3], $0xF7A  }
0x26: {  	[smem:$0x3F9A] =	sst s1;
	(tag) =	ssettag s2;
	_ =	strace s9  }
0x27: {  	s1 =	sld [smem:$0x3FAA]  }
0x28: {  	s2 =	sld [smem:$0x3FAB]  }
0x29: {  	s4 =	sld [smem:$0x3FAD]  }
0x2a: {  	p0 =	seq.s32 s5, $0x0;
	s5 =	sld [smem:$0x3FAE]  }
0x2b: {  	s6 =	sld [smem:$0x3FAF]  }
0x2c: {  	s7 =	sld [smem:$0x3FB0]  }
0x2d: {  	s3 =	simm.s32 $0x108;
	s8 =	sld [smem:$0x3FB1]  }
0x2e: {  	s3 =	simm.s32 @!p0 $0x1082;
	s9 =	sld [smem:$0x3FB2]  }
0x2f: {  	lr =	sadd.s32 s0, s3;
	s0 =	sld [smem:$0x3FA9]  }
0x30: {  	s3 =	sld [smem:$0x3FAC]  }
0x31: {  	[smem:$0x3FB5] =	sst s10  }
0x32: {  	s10 =	sld [smem:$0x3FB3];
	_ =	sdelay $0x3  }
0x33: {  	p0 =	seq.s32 s10, $0x1;
	s10 =	sld [smem:$0x3FB5];
	_ =	sdelay $0x3  }
0x34: {  	[smem:$0x3FB5] =	sst s10  }
0x35: {  	s10 =	sld [smem:$0x3FB4];
	_ =	sdelay $0x3  }
0x36: {  	p1 =	seq.s32 s10, $0x1;
	s10 =	sld [smem:$0x3FB5];
	_ =	sdelay $0x3  }
0x37: {  	[smem:$0x3FB5] =	sst s10  }
0x38: {  	s10 =	sld [smem:$0x3FB6]  }
0x39: {  	_ = 	snop;
	(pc) =	sbr.ind lr, $3  }
0x3a: {  	_ = 	snop  }
0x3b: {  	_ = 	snop  }
0x3c: {  	p2 =	seq.s32 s10, $0x1;
	s10 =	sld [smem:$0x3FB5]  }
0x3d: {  	_ =	shalt  }
0x3e: {  	_ =	shalt  }
0x3f: {  	_ =	shalt  }
0x40: {  	_ =	shalt  }
0x41: {  	_ =	shalt  }
0x42: {  	_ =	shalt  }
0x43: {  	_ =	shalt  }
0x44: {  	_ =	shalt  }
0x45: {  	_ =	shalt  }
0x46: {  	_ =	shalt  }
0x47: {  	_ =	shalt  }
0x48: {  	_ =	shalt  }
0x49: {  	_ =	shalt  }
0x4a: {  	_ =	shalt  }
0x4b: {  	_ =	shalt  }
0x4c: {  	_ =	shalt  }
0x4d: {  	_ =	shalt  }
0x4e: {  	_ =	shalt  }
0x4f: {  	_ =	shalt  }
0x50: {  	_ =	shalt  }
0x51: {  	_ =	shalt  }
0x52: {  	_ =	shalt  }
0x53: {  	_ =	shalt  }
0x54: {  	_ =	shalt  }
0x55: {  	_ =	shalt  }
0x56: {  	_ =	shalt  }
0x57: {  	_ =	shalt  }
0x58: {  	_ =	shalt  }
0x59: {  	_ =	shalt  }
0x5a: {  	_ =	shalt  }
0x5b: {  	_ =	shalt  }
0x5c: {  	_ =	shalt  }
0x5d: {  	_ =	shalt  }
0x5e: {  	_ =	shalt  }
0x5f: {  	_ =	shalt  }
0x60: {  	_ =	shalt  }
0x61: {  	_ =	shalt  }
0x62: {  	_ =	shalt  }
0x63: {  	_ =	shalt  }
0x64: {  	_ =	shalt  }
0x65: {  	_ =	shalt  }
0x66: {  	_ =	shalt  }
0x67: {  	_ =	shalt  }
0x68: {  	_ =	shalt  }
0x69: {  	_ =	shalt  }
0x6a: {  	_ =	shalt  }
0x6b: {  	_ =	shalt  }
0x6c: {  	_ =	shalt  }
0x6d: {  	_ =	shalt  }
0x6e: {  	_ =	shalt  }
0x6f: {  	_ =	shalt  }
0x70: {  	_ =	shalt  }
0x71: {  	_ =	shalt  }
0x72: {  	_ =	shalt  }
0x73: {  	_ =	shalt  }
0x74: {  	_ =	shalt  }
0x75: {  	_ =	shalt  }
0x76: {  	_ =	shalt  }
0x77: {  	_ =	shalt  }
0x78: {  	_ =	shalt  }
0x79: {  	_ =	shalt  }
0x7a: {  	_ =	shalt  }
0x7b: {  	_ =	shalt  }
0x7c: {  	_ =	shalt  }
0x7d: {  	_ =	shalt  }
0x7e: {  	_ =	shalt  }
0x7f: {  	_ =	shalt  }
0x80: {  	_ =	shalt  }
0x81: {  	_ =	shalt  }
0x82: {  	_ =	shalt  }
0x83: {  	_ =	shalt  }
0x84: {  	_ =	shalt  }
0x85: {  	_ =	shalt  }
0x86: {  	_ =	shalt  }
0x87: {  	_ =	shalt  }
.Lfunc_end0:
.L_simem_size_0:
called_computation_lowered:
.L_overlay_start_0:
0x88: {  	s2 =	sld [smem:$0x3FD9]  }
0x89: {  	s3 =	sld [smem:$0x3FFE];
	_ =	sdelay $0x1  }
0x8a: {  	s1 =	srdreg.scid  }
0x8b: {  	s0 =	sand.u32 $0x1, s1  }
0x8c: {  	s17 =	sshll.u32 s0, $0xA;
	s2 =	sadd.s32 s3, s2  }
0x8d: {  	s2 =	sadd.s32 s2, s17  }
0x8e: {  	[smem:$0x3FC1] =	sst s2  }
0x8f: {  	_ = 	snop  }
0x90: {  	s2 =	sld [smem:$0x3FC9]  }
0x91: {  	s18 =	sld [smem:$0x3FD0];
	(tm) =	ssettm $0x1  }
0x92: {  	s4 =	sld [smem:$0x3FFB];
	_ =	sdelay $0x3  }
0x93: {  	_ =	strace s4  }
0x94: {  	s4 =	sld [smem:$0x3FFC];
	_ =	sdelay $0x3  }
0x95: {  	_ =	strace s4  }
0x96: {  	s4 =	sld [smem:$0x3FFD];
	_ =	sdelay $0x3  }
0x97: {  	_ =	strace s4  }
0x98: {  	_ =	strace $0x8FFFFFFF  }
0x99: {  	s19 =	sld [smem:$0x3FDB];
	_ =	sdelay $0x1  }
0x9a: {  	s5 =	simm.s32 $_scs_section_size  }
0x9b: {  	s6 =	simm.s32 $_size__tile_overlayer_lowered;
	s7 =	simm.s32 $_tile_overlayer_lowered  }
0x9c: {  	s22 =	simm.s32 $0x1BFF;
	s21 =	sshll.u32 s7, $0x1;
	s4 =	sadd.s32 s5, s19  }
0x9d: {  	s8 =	simm.s32 $0x0;
	s20 =	sshll.u32 s6, $0x1;
	s6 =	sadd.s32 s21, s4  }
0x9e: {  	[timem:s8], [sflag:s22] =	dma.local [hbm:s6], s20  }
0x9f: {  	_ =	swait.ge [sflag:s22], s20  }
0xa0: {  	s5 =	ssub.s32 $0x0, s20;
	[sflag:s22] =	ssyncset.done $0x0  }
0xa1: {  	[sflag:s22] =	ssyncadd.s32 s5;
	_ =	sdelay $0x1  }
0xa2: {  	s23 =	simm.s32 $0x1B8B  }
0xa3: {  	_ =	swait.ge [sflag:s23], $0x1  }
0xa4: {  	[sflag:s23] =	ssyncset.done $0x0  }
0xa5: {  	s25 =	simm.s32 $0x1B8E;
	s24 =	sld [smem:$0x3FFE];
	[sflag:s23] =	ssyncadd.s32 $0xFFFFFFFF  }
0xa6: {  	s26 =	simm.s32 $execute0_lowered;
	[smem:$0x3FD2] =	sst s25  }
0xa7: {  	s6 =	sshll.u32 s26, $0x1;
	_ =	strace $0x80000046;
	[dreg:$0x1] =	wrdreg $0xFFFFFFFF  }
0xa8: {  	s28 =	simm.s32 $_size_execute0_lowered;
	s4 =	sadd.s32 s4, s6;
	[dreg:$0x0] =	wrdreg $0x0  }
0xa9: {  	s6 =	sshll.u32 s28, $0x1;
	[dreg:$0x2] =	wrdreg s4  }
0xaa: {  	[dreg:$0x3] =	wrdreg s6  }
0xab: {  	[dreg:$0x4] =	wrdreg $0xC0  }
0xac: {  	_ =	task [dreg:s8], $0x5FFFF  }
0xad: {  	[dreg:$0x1] =	wrdreg $0xFFFFFFFF  }
0xae: {  	[dreg:$0x0] =	wrdreg $0x60  }
0xaf: {  	[dreg:$0x2] =	wrdreg s2  }
0xb0: {  	[dreg:$0x3] =	wrdreg s24  }
0xb1: {  	[dreg:$0x4] =	wrdreg s18  }
0xb2: {  	[dreg:$0x5] =	wrdreg $0x9  }
0xb3: {  	_ =	task.clear_ibuf [dreg:s8], $0x6FFFF;
	_ =	strace $0x90000046  }
0xb4: {  	s29 =	simm.s32 $0x9;
	_ =	strace $0x80000048  }
0xb5: {  	_ =	swait.ge [sflag:s29], $0x1  }
0xb6: {  	[sflag:s29] =	ssyncadd.s32 $0xFFFFFFFF  }
0xb7: {  	_ =	strace $0x90000048  }
0xb8: {  	_ =	sfence  }
0xb9: {  	s30 =	sld [smem:$0x0];
	_ =	sdelay $0x2  }
0xba: {  	s31 =	sshll.u32 s1, $0xD;
	s1 =	sshrl.u32 s1, $0x2  }
0xbb: {  	s3 =	sand.u32 $0x4000, s31;
	s1 =	sadd.s32 s1, s30  }
0xbc: {  	s0 =	sor.u32 s3, s0;
	s1 =	sshll.u32 s1, $0x11  }
0xbd: {  	s0 =	sor.u32 s1, s0  }
0xbe: {  	s0 =	sadd.s32 $0x8F2B, s0  }
0xbf: {  	[sflag:s0] =	ssyncadd.remote.s32 $0x1  }
0xc0: {  	_ =	sfence.sel $0xFFFF  }
0xc1: {  	[dreg:$0x0] =	wrdreg $0xFFFFFFFF;
	(pc) =	sbr.abs _section_cstart, $3  }
0xc2: {  	[dreg:$0x1] =	wrdreg $0xFFFFFFFF  }
0xc3: {  	_ =	task.clear_ibuf [dreg:s8], $0x2FFFF;
	_ =	strace $0x9FFFFFFF  }
0xc4: {  	(tm) =	ssettm $0x7FFFFFFF  }
0xc5: {  	_ =	shalt  }
tec
execute0_lowered:
.L_overlay_start_1:
0x0: {  	(tag) =	ssettag $0x1  }
0x1: {  	s0 =	rddreg [dreg:$0x0]  }
0x2: {  	s4 =	rddreg [dreg:$0x1]  }
0x3: {  	s2 =	rddreg [dreg:$0x2];
	s3 =	srdreg.scid  }
0x4: {  	s1 =	stileid.u32;
	s24 =	simm.s32 $0x880;
	s25 =	simm.s32 $0x1080  }
0x5: {  	s26 =	simm.s32 $0x1880;
	s11 =	simm.s32 $0x2880;
	s12 =	simm.s32 $0x3080  }
0x6: {  	s13 =	simm.s32 $0x3880;
	s14 =	simm.s32 $0x4080;
	s15 =	simm.s32 $0x4880  }
0x7: {  	s16 =	simm.s32 $0x5080;
	s17 =	simm.s32 $0x5880;
	s18 =	simm.s32 $0x6080  }
0x8: {  	s19 =	simm.s32 $0x6880;
	s20 =	simm.s32 $0x7080;
	s28 =	simm.s32 $0xA880  }
0x9: {  	s29 =	simm.s32 $0xB080;
	s5 =	sand.u32 $0x1, s3;
	s3 =	simm.s32 $0x0  }
0xa: {  	s30 =	simm.s32 $0xB880;
	s9 =	sadd.s32 $0xBE00, s4;
	[smem:$0x7FF] =	sst s3  }
0xb: {  	s31 =	simm.s32 $0x1;
	_ =	strace $0x80000047;
	[dreg:$0x4] =	wrdreg s9  }
0xc: {  	s6 =	sshll.u32 s1, $0x7;
	s7 =	sshll.u32 s5, $0x6;
	[dreg:$0x8] =	wrdreg s24  }
0xd: {  	s5 =	ssub.s32 $0x2, s5;
	s6 =	sor.u32 s7, s6;
	[dreg:$0x9] =	wrdreg s25  }
0xe: {  	s22 =	sshrl.u32 s5, $0x1;
	s9 =	simm.s32 $0xC080;
	[dreg:$0xa] =	wrdreg s26  }
0xf: {  	s24 =	simm.s32 $0x9080;
	s7 =	sshll.u32 s6, $0x4;
	s6 =	sshrl.u32 s6, $0x3  }
0x10: {  	s25 =	simm.s32 $0x9880;
	s26 =	simm.s32 $0xA080;
	s8 =	sadd.s32 s6, s4  }
0x11: {  	s6 =	smul.u32 $0x300, s6;
	s4 =	sadd.s32 s7, s4;
	s7 =	simm.s32 $0x2  }
0x12: {  	s21 =	sadd.s32 $0xBC00, s8;
	s23 =	sadd.s32 $0x1C00, s4;
	s4 =	sadd.s32 $0x100, s2  }
0x13: {  	s8 =	simm.s32 $0x80;
	[dreg:$0x5] =	wrdreg s21;
	s0 =	sadd.s32 s0, s6  }
0x14: {  	v2 =	vlaneseq.u32;
	s6 =	ssub.s32 s5, s22;
	[dreg:$0x7] =	wrdreg s23;
	s5 =	sadd.s32 $0x200, s2  }
0x15: {  	vm0 =	vmmov $0xffff;
	v1 =	vshrl.u32 v2, $0x3;
	s21 =	simm.s32 $0x7880;
	s22 =	simm.s32 $0x8080;
	s23 =	simm.s32 $0x8880  }
0x16: {  	v0 =	vand.u32 $0x7, v2;
	v2 =	vor.u32 $0x8, v2;
	v1 =	vmul.u32 $0x8, v1;
	[dreg:$0x6] =	wrdreg s0;
	s6 =	smax.u32 s6, $0x1;
	s0 =	simm.s32 $0x40  }
.LBB2_1:
0x17: {  	s1 =	rddreg [dreg:$0x5]  }
0x18: {  	[tilespmem:s3], [sflag:$0x2] =	stream.linear.gather [hbm4b:s1+s3], $0x40, $0x38;
	[tilespmem:$0xE080] =	vst v63  }
0x19: {  	_ =	swait.ge [sflag:s7], $0x40  }
0x1a: {  	[sflag:s7] =	ssyncset.done $0x0  }
0x1b: {  	s10 =	rddreg [dreg:$0x6];
	[sflag:s7] =	ssyncadd.s32 $0xFFFFFFC0  }
0x1c: {  	[tilespmem:s8], [sflag:$0x2] =	stream.linear.gather [hbm4b:s10+s3], $0xC000, $0x38;
	[tilespmem:$0xE080] =	vst v63  }
0x1d: {  	_ =	swait.ge [sflag:s7], $0xC000  }
0x1e: {  	[sflag:s7] =	ssyncset.done $0x0  }
0x1f: {  	s10 =	rddreg [dreg:$0x7];
	[sflag:s7] =	ssyncadd.s32 $0xFFFF4000  }
0x20: {  	[tilespmem:s9], [sflag:$0x2] =	stream.linear.gather [hbm4b:s10+s3], $0x2000, $0x38;
	[tilespmem:$0xE080] =	vst v63  }
0x21: {  	_ =	swait.ge [sflag:s7], $0x2000  }
0x22: {  	[sflag:s7] =	ssyncset.done $0x0  }
0x23: {  	[sflag:s7] =	ssyncadd.s32 $0xFFFFE000  }
0x24: {  	v3 =	vld [tilespmem:$0x0];
	_ =	sdelay $0x4  }
0x25: {  	v4 =	vshrl.u32 v3, $0x3  }
0x26: {  	v4 =	vmul.u32 $0x30, v4  }
0x27: {  	v3 =	vand.u32 $0x7, v3  }
0x28: {  	v3 =	vor.u32 v3, v4  }
0x29: {  	v4 =	vperm.xlane v3, v0;
	_ =	sdelay $0x1  }
0x2a: {  	v4 =	vadd.s32 v1, v4;
	_ =	sdelay $0x3  }
0x2b: {  	v3 =	vperm.xlane v3, v2  }
0x2c: {  	[hbm4b:s2+s3] =	stream.indirect_vreg.scatter [tilespmem:s8], [sflag:$0x1], $0x80, v4, vm0, $0xb8;
	[tilespmem:$0xE080] =	vst v63  }
0x2d: {  	s1 =	rddreg [dreg:$0x8];
	v3 =	vadd.s32 v1, v3  }
0x2e: {  	[hbm4b:s4+s3] =	stream.indirect_vreg.scatter [tilespmem:s1], [sflag:$0x1], $0x80, v4, vm0, $0xb8;
	[tilespmem:$0xE080] =	vst v63  }
0x2f: {  	s10 =	rddreg [dreg:$0x9]  }
0x30: {  	[hbm4b:s5+s3] =	stream.indirect_vreg.scatter [tilespmem:s10], [sflag:$0x1], $0x80, v4, vm0, $0xb8;
	[tilespmem:$0xE080] =	vst v63  }
0x31: {  	s1 =	rddreg [dreg:$0xa]  }
0x32: {  	[hbm4b:s2+s3] =	stream.indirect_vreg.scatter [tilespmem:s1], [sflag:$0x1], $0x80, v3, vm0, $0xb8;
	[tilespmem:$0xE080] =	vst v63  }
0x33: {  	s10 =	simm.s32 $0x2080  }
0x34: {  	[hbm4b:s4+s3] =	stream.indirect_vreg.scatter [tilespmem:s10], [sflag:$0x1], $0x80, v3, vm0, $0xb8;
	[tilespmem:$0xE080] =	vst v63  }
0x35: {  	_ = 	snop  }
0x36: {  	[hbm4b:s5+s3] =	stream.indirect_vreg.scatter [tilespmem:s11], [sflag:$0x1], $0x80, v3, vm0, $0xb8;
	[tilespmem:$0xE080] =	vst v63  }
0x37: {  	v3 =	vld [tilespmem:$0x10];
	_ =	sdelay $0x4  }
0x38: {  	v61 =	vshrl.u32 v3, $0x3  }
0x39: {  	v4 =	vmul.u32 $0x30, v61  }
0x3a: {  	v3 =	vand.u32 $0x7, v3  }
0x3b: {  	v3 =	vor.u32 v3, v4  }
0x3c: {  	v4 =	vperm.xlane v3, v0;
	_ =	sdelay $0x1  }
0x3d: {  	v4 =	vadd.s32 v1, v4;
	_ =	sdelay $0x3  }
0x3e: {  	v3 =	vperm.xlane v3, v2  }
0x3f: {  	[hbm4b:s2+s3] =	stream.indirect_vreg.scatter [tilespmem:s12], [sflag:$0x1], $0x80, v4, vm0, $0xb8;
	[tilespmem:$0xE080] =	vst v63  }
0x40: {  	v3 =	vadd.s32 v1, v3  }
0x41: {  	[hbm4b:s4+s3] =	stream.indirect_vreg.scatter [tilespmem:s13], [sflag:$0x1], $0x80, v4, vm0, $0xb8;
	[tilespmem:$0xE080] =	vst v63  }
0x42: {  	_ = 	snop  }
0x43: {  	[hbm4b:s5+s3] =	stream.indirect_vreg.scatter [tilespmem:s14], [sflag:$0x1], $0x80, v4, vm0, $0xb8;
	[tilespmem:$0xE080] =	vst v63  }
0x44: {  	_ = 	snop  }
0x45: {  	[hbm4b:s2+s3] =	stream.indirect_vreg.scatter [tilespmem:s15], [sflag:$0x1], $0x80, v3, vm0, $0xb8;
	[tilespmem:$0xE080] =	vst v63  }
0x46: {  	_ = 	snop  }
0x47: {  	[hbm4b:s4+s3] =	stream.indirect_vreg.scatter [tilespmem:s16], [sflag:$0x1], $0x80, v3, vm0, $0xb8;
	[tilespmem:$0xE080] =	vst v63  }
0x48: {  	_ = 	snop  }
0x49: {  	[hbm4b:s5+s3] =	stream.indirect_vreg.scatter [tilespmem:s17], [sflag:$0x1], $0x80, v3, vm0, $0xb8;
	[tilespmem:$0xE080] =	vst v63  }
0x4a: {  	v3 =	vld [tilespmem:$0x20];
	_ =	sdelay $0x4  }
0x4b: {  	v62 =	vshrl.u32 v3, $0x3  }
0x4c: {  	v4 =	vmul.u32 $0x30, v62  }
0x4d: {  	v3 =	vand.u32 $0x7, v3  }
0x4e: {  	v3 =	vor.u32 v3, v4  }
0x4f: {  	v4 =	vperm.xlane v3, v0;
	_ =	sdelay $0x1  }
0x50: {  	v4 =	vadd.s32 v1, v4;
	_ =	sdelay $0x3  }
0x51: {  	v3 =	vperm.xlane v3, v2  }
0x52: {  	[hbm4b:s2+s3] =	stream.indirect_vreg.scatter [tilespmem:s18], [sflag:$0x1], $0x80, v4, vm0, $0xb8;
	[tilespmem:$0xE080] =	vst v63  }
0x53: {  	v3 =	vadd.s32 v1, v3  }
0x54: {  	[hbm4b:s4+s3] =	stream.indirect_vreg.scatter [tilespmem:s19], [sflag:$0x1], $0x80, v4, vm0, $0xb8;
	[tilespmem:$0xE080] =	vst v63  }
0x55: {  	_ = 	snop  }
0x56: {  	[hbm4b:s5+s3] =	stream.indirect_vreg.scatter [tilespmem:s20], [sflag:$0x1], $0x80, v4, vm0, $0xb8;
	[tilespmem:$0xE080] =	vst v63  }
0x57: {  	_ = 	snop  }
0x58: {  	[hbm4b:s2+s3] =	stream.indirect_vreg.scatter [tilespmem:s21], [sflag:$0x1], $0x80, v3, vm0, $0xb8;
	[tilespmem:$0xE080] =	vst v63  }
0x59: {  	_ = 	snop  }
0x5a: {  	[hbm4b:s4+s3] =	stream.indirect_vreg.scatter [tilespmem:s22], [sflag:$0x1], $0x80, v3, vm0, $0xb8;
	[tilespmem:$0xE080] =	vst v63  }
0x5b: {  	_ = 	snop  }
0x5c: {  	[hbm4b:s5+s3] =	stream.indirect_vreg.scatter [tilespmem:s23], [sflag:$0x1], $0x80, v3, vm0, $0xb8;
	[tilespmem:$0xE080] =	vst v63  }
0x5d: {  	v3 =	vld [tilespmem:$0x30];
	_ =	sdelay $0x4  }
0x5e: {  	v63 =	vshrl.u32 v3, $0x3  }
0x5f: {  	v4 =	vmul.u32 $0x30, v63  }
0x60: {  	v3 =	vand.u32 $0x7, v3  }
0x61: {  	v3 =	vor.u32 v3, v4  }
0x62: {  	v4 =	vperm.xlane v3, v0;
	_ =	sdelay $0x1  }
0x63: {  	v4 =	vadd.s32 v1, v4;
	_ =	sdelay $0x3  }
0x64: {  	v3 =	vperm.xlane v3, v2  }
0x65: {  	[hbm4b:s2+s3] =	stream.indirect_vreg.scatter [tilespmem:s24], [sflag:$0x1], $0x80, v4, vm0, $0xb8;
	[tilespmem:$0xE080] =	vst v63  }
0x66: {  	v3 =	vadd.s32 v1, v3  }
0x67: {  	[hbm4b:s4+s3] =	stream.indirect_vreg.scatter [tilespmem:s25], [sflag:$0x1], $0x80, v4, vm0, $0xb8;
	[tilespmem:$0xE080] =	vst v63  }
0x68: {  	_ = 	snop  }
0x69: {  	[hbm4b:s5+s3] =	stream.indirect_vreg.scatter [tilespmem:s26], [sflag:$0x1], $0x80, v4, vm0, $0xb8;
	[tilespmem:$0xE080] =	vst v63  }
0x6a: {  	_ = 	snop  }
0x6b: {  	[hbm4b:s2+s3] =	stream.indirect_vreg.scatter [tilespmem:s28], [sflag:$0x1], $0x80, v3, vm0, $0xb8;
	[tilespmem:$0xE080] =	vst v63  }
0x6c: {  	_ = 	snop  }
0x6d: {  	[hbm4b:s4+s3] =	stream.indirect_vreg.scatter [tilespmem:s29], [sflag:$0x1], $0x80, v3, vm0, $0xb8;
	[tilespmem:$0xE080] =	vst v63  }
0x6e: {  	_ = 	snop  }
0x6f: {  	[hbm4b:s5+s3] =	stream.indirect_vreg.scatter [tilespmem:s30], [sflag:$0x1], $0x80, v3, vm0, $0xb8;
	[tilespmem:$0xE080] =	vst v63  }
0x70: {  	_ =	swait.ge [sflag:s31], $0xC000  }
0x71: {  	p0 =	sne.s32 s6, $0x1;
	[sflag:s31] =	ssyncset.done $0x0  }
.Ltmp0:
0x72: {  	s10 =	rddreg [dreg:$0x4];
	[sflag:s31] =	ssyncadd.s32 $0xFFFF4000;
	(pc) =	sbr.rel @p0 .LBB2_1-.Ltmp0, $4  }
0x73: {  	[hbm4b:s10+s0] =	stream.indirect.scatter [tilespmem:s9], [sflag:$0x1], $0x80, s3, s0, $0xb8;
	[tilespmem:$0xE080] =	vst v63  }
0x74: {  	_ =	swait.ge [sflag:s31], $0x2000  }
0x75: {  	[sflag:s31] =	ssyncset.done $0x0  }
0x76: {  	s6 =	sadd.s32 $0xFFFFFFFF, s6;
	[sflag:s31] =	ssyncadd.s32 $0xFFFFE000  }
0x77: {  	_ =	sfence.sel $0x180000  }
0x78: {  	[bflag:$0x0] =	sbarrier.arrive $0xFFFF  }
0x79: {  	_ =	strace $0x90000047  }
0x7a: {  	s0 =	stileid.u32;
	[bflag:$0x2] =	sbarrier.arrive $0xFFFF  }
0x7b: {  	p0 =	sne.s32 s0, $0x0;
	s0 =	rddreg [dreg:$0x3]  }
0x7c: {  	s0 =	sadd.s32 @!p0 $0x100000, s0  }
0x7d: {  	[sflag:s0] =	ssyncadd.tile.s32 @!p0 $0x1;
	_ =	shalt  }
.Lfunc_end2:
_tile_overlayer_lowered:
.L_overlay_start_2:
0x7e: {  	(tag) =	ssettag $0x2  }
0x7f: {  	s0 =	rddreg [dreg:$0x0];
	s2 =	stileid.u32  }
0x80: {  	s1 =	rddreg [dreg:$0x1];
	p0 =	sne.s32 s2, $0x0  }
0x81: {  	s3 =	rddreg [dreg:$0x2];
	[bflag:$0x3] =	sbarrier.arrive $0xFFFF;
	s2 =	simm.s32 @!p0 $0x1C02  }
0x82: {  	[timem:s3], [sflag:s2] =	dma.local @!p0 [hbm:s0], s1  }
0x83: {  	s0 =	simm.s32 @!p0 $0x2  }
0x84: {  	_ =	swait.ge @!p0 [sflag:s0], s1  }
0x85: {  	s1 =	ssub.s32 @!p0 $0x0, s1;
	[sflag:s0] =	ssyncset.done @!p0 $0x0  }
0x86: {  	[sflag:s0] =	ssyncadd.s32 @!p0 s1  }
0x87: {  	[bflag:$0x3] =	sbarrier.arrive $0xFFFF  }
0x88: {  	_ =	shalt  }

// kernel: kernel.9.cloned.1.call-start
scs
__scs_entry_jumppad:
0x0: {  	(pc) =	sbr.rel $0x88, $3  }
0x1: {  	(tag) =	ssettag $0x0;
	lr =	simm.s32 $0x1  }
0x2: {  	[smem:$0x3F9A] =	sst lr;
	_ =	strace $0xD0000000  }
0x3: {  	_ = 	snop  }
0x4: {  	_ = 	snop  }
0x5: {  	_ = 	snop  }
0x6: {  	_ = 	snop  }
0x7: {  	_ = 	snop  }
__scs_overlays_trampoline_lowered:
0x8: {  	[smem:$0x3FA9] =	sst s0  }
0x9: {  	[smem:$0x3FAA] =	sst s1  }
0xa: {  	[smem:$0x3FAB] =	sst s2  }
0xb: {  	[smem:$0x3FAC] =	sst s3  }
0xc: {  	[smem:$0x3FAD] =	sst s4  }
0xd: {  	[smem:$0x3FAE] =	sst s5  }
0xe: {  	[smem:$0x3FAF] =	sst s6  }
0xf: {  	[smem:$0x3FB0] =	sst s7  }
0x10: {  	[smem:$0x3FB1] =	sst s8  }
0x11: {  	[smem:$0x3FB2] =	sst s9;
	s0 =	simm.s32 @!p0 $0x0  }
0x12: {  	s1 =	sld [smem:$0x3F98];
	s0 =	simm.s32 @p0 $0x1  }
0x13: {  	[smem:$0x3FB3] =	sst s0;
	s0 =	simm.s32 @!p1 $0x0  }
0x14: {  	s2 =	sld [smem:$0x3F97];
	s0 =	simm.s32 @p1 $0x1  }
0x15: {  	[smem:$0x3FB4] =	sst s0;
	s0 =	simm.s32 @!p2 $0x0  }
0x16: {  	s3 =	sld [smem:$0x3FDB];
	s0 =	simm.s32 @p2 $0x1  }
0x17: {  	s4 =	simm.s32 $0x1BF5;
	[smem:$0x3FB6] =	sst s0  }
0x18: {  	s0 =	sld [smem:$0x3F99];
	_ =	swait.ge [sflag:s4], $0x0  }
0x19: {  	s7 =	sld [smem:$0x3F9A]  }
0x1a: {  	s8 =	sadd.s32 $0xFFFFE003, lr  }
0x1b: {  	s9 =	sadd.s32 $0xFFFFFEF7, lr;
	s5 =	simm.s32 $0xFFFFFFFF;
	p2 =	slt.u32 s8, $0xFFFFF086  }
0x1c: {  	p1 =	slt.u32 s9, $0xF7A;
	s5 =	simm.s32 @!p2 $0x0  }
0x1d: {  	s5 =	simm.s32 @p1 $0x1;
	p0 =	seq.s32 s7, s2  }
0x1e: {  	s7 =	smul.u32 @!p0 $0xF7A, s2;
	p2 =	seq.s32 @!p0 s5, $0x0  }
0x1f: {  	s9 =	smul.u32 $0xF7A, s1;
	s8 =	simm.s32 @!p0 $0x1BF5;
	p2 =	por !p2, p0  }
0x20: {  	[sflag:s8] =	ssyncset.s32 @!p0 $0xFFFFF086;
	s6 =	sadd.s32 @!p0 s3, s7;
	s7 =	simm.s32 @!p0 $0x108  }
0x21: {  	s3 =	sadd.s32 s3, s9;
	s6 =	sadd.s32 @!p0 $0x88, s6;
	s7 =	simm.s32 @p2 $0x1082  }
0x22: {  	[simem:s7], [sflag:s8] =	dma.local @!p0 [hbm:s6], $0xF7A  }
0x23: {  	s9 =	sor.u32 $0xD0000000, s2;
	s6 =	simm.s32 $0x108;
	_ =	swait.ge @!p0 [sflag:s8], $0x0  }
0x24: {  	s3 =	sadd.s32 $0x88, s3;
	s6 =	simm.s32 @!p1 $0x1082;
	[sflag:s4] =	ssyncset.s32 $0xFFFFF086  }
0x25: {  	[simem:s6], [sflag:s4] =	dma.local [hbm:s3], $0xF7A  }
0x26: {  	[smem:$0x3F9A] =	sst s1;
	(tag) =	ssettag s2;
	_ =	strace s9  }
0x27: {  	s1 =	sld [smem:$0x3FAA]  }
0x28: {  	s2 =	sld [smem:$0x3FAB]  }
0x29: {  	s4 =	sld [smem:$0x3FAD]  }
0x2a: {  	p0 =	seq.s32 s5, $0x0;
	s5 =	sld [smem:$0x3FAE]  }
0x2b: {  	s6 =	sld [smem:$0x3FAF]  }
0x2c: {  	s7 =	sld [smem:$0x3FB0]  }
0x2d: {  	s3 =	simm.s32 $0x108;
	s8 =	sld [smem:$0x3FB1]  }
0x2e: {  	s3 =	simm.s32 @!p0 $0x1082;
	s9 =	sld [smem:$0x3FB2]  }
0x2f: {  	lr =	sadd.s32 s0, s3;
	s0 =	sld [smem:$0x3FA9]  }
0x30: {  	s3 =	sld [smem:$0x3FAC]  }
0x31: {  	[smem:$0x3FB5] =	sst s10  }
0x32: {  	s10 =	sld [smem:$0x3FB3];
	_ =	sdelay $0x3  }
0x33: {  	p0 =	seq.s32 s10, $0x1;
	s10 =	sld [smem:$0x3FB5];
	_ =	sdelay $0x3  }
0x34: {  	[smem:$0x3FB5] =	sst s10  }
0x35: {  	s10 =	sld [smem:$0x3FB4];
	_ =	sdelay $0x3  }
0x36: {  	p1 =	seq.s32 s10, $0x1;
	s10 =	sld [smem:$0x3FB5];
	_ =	sdelay $0x3  }
0x37: {  	[smem:$0x3FB5] =	sst s10  }
0x38: {  	s10 =	sld [smem:$0x3FB6]  }
0x39: {  	_ = 	snop;
	(pc) =	sbr.ind lr, $3  }
0x3a: {  	_ = 	snop  }
0x3b: {  	_ = 	snop  }
0x3c: {  	p2 =	seq.s32 s10, $0x1;
	s10 =	sld [smem:$0x3FB5]  }
0x3d: {  	_ =	shalt  }
0x3e: {  	_ =	shalt  }
0x3f: {  	_ =	shalt  }
0x40: {  	_ =	shalt  }
0x41: {  	_ =	shalt  }
0x42: {  	_ =	shalt  }
0x43: {  	_ =	shalt  }
0x44: {  	_ =	shalt  }
0x45: {  	_ =	shalt  }
0x46: {  	_ =	shalt  }
0x47: {  	_ =	shalt  }
0x48: {  	_ =	shalt  }
0x49: {  	_ =	shalt  }
0x4a: {  	_ =	shalt  }
0x4b: {  	_ =	shalt  }
0x4c: {  	_ =	shalt  }
0x4d: {  	_ =	shalt  }
0x4e: {  	_ =	shalt  }
0x4f: {  	_ =	shalt  }
0x50: {  	_ =	shalt  }
0x51: {  	_ =	shalt  }
0x52: {  	_ =	shalt  }
0x53: {  	_ =	shalt  }
0x54: {  	_ =	shalt  }
0x55: {  	_ =	shalt  }
0x56: {  	_ =	shalt  }
0x57: {  	_ =	shalt  }
0x58: {  	_ =	shalt  }
0x59: {  	_ =	shalt  }
0x5a: {  	_ =	shalt  }
0x5b: {  	_ =	shalt  }
0x5c: {  	_ =	shalt  }
0x5d: {  	_ =	shalt  }
0x5e: {  	_ =	shalt  }
0x5f: {  	_ =	shalt  }
0x60: {  	_ =	shalt  }
0x61: {  	_ =	shalt  }
0x62: {  	_ =	shalt  }
0x63: {  	_ =	shalt  }
0x64: {  	_ =	shalt  }
0x65: {  	_ =	shalt  }
0x66: {  	_ =	shalt  }
0x67: {  	_ =	shalt  }
0x68: {  	_ =	shalt  }
0x69: {  	_ =	shalt  }
0x6a: {  	_ =	shalt  }
0x6b: {  	_ =	shalt  }
0x6c: {  	_ =	shalt  }
0x6d: {  	_ =	shalt  }
0x6e: {  	_ =	shalt  }
0x6f: {  	_ =	shalt  }
0x70: {  	_ =	shalt  }
0x71: {  	_ =	shalt  }
0x72: {  	_ =	shalt  }
0x73: {  	_ =	shalt  }
0x74: {  	_ =	shalt  }
0x75: {  	_ =	shalt  }
0x76: {  	_ =	shalt  }
0x77: {  	_ =	shalt  }
0x78: {  	_ =	shalt  }
0x79: {  	_ =	shalt  }
0x7a: {  	_ =	shalt  }
0x7b: {  	_ =	shalt  }
0x7c: {  	_ =	shalt  }
0x7d: {  	_ =	shalt  }
0x7e: {  	_ =	shalt  }
0x7f: {  	_ =	shalt  }
0x80: {  	_ =	shalt  }
0x81: {  	_ =	shalt  }
0x82: {  	_ =	shalt  }
0x83: {  	_ =	shalt  }
0x84: {  	_ =	shalt  }
0x85: {  	_ =	shalt  }
0x86: {  	_ =	shalt  }
0x87: {  	_ =	shalt  }
.Lfunc_end0:
.L_simem_size_0:
called_computation.1_lowered:
.L_overlay_start_0:
0x88: {  	s2 =	sld [smem:$0x3FD9]  }
0x89: {  	s3 =	sld [smem:$0x3FFE];
	_ =	sdelay $0x1  }
0x8a: {  	s1 =	srdreg.scid  }
0x8b: {  	s0 =	sand.u32 $0x1, s1  }
0x8c: {  	s17 =	sshll.u32 s0, $0xA;
	s2 =	sadd.s32 s3, s2  }
0x8d: {  	s2 =	sadd.s32 s2, s17  }
0x8e: {  	[smem:$0x3FC1] =	sst s2  }
0x8f: {  	_ = 	snop  }
0x90: {  	s2 =	sld [smem:$0x3FD0];
	(tm) =	ssettm $0x1  }
0x91: {  	s18 =	sld [smem:$0x3FFB];
	_ =	sdelay $0x3  }
0x92: {  	_ =	strace s18  }
0x93: {  	s3 =	sld [smem:$0x3FFC];
	_ =	sdelay $0x3  }
0x94: {  	_ =	strace s3  }
0x95: {  	s3 =	sld [smem:$0x3FFD];
	_ =	sdelay $0x3  }
0x96: {  	_ =	strace s3  }
0x97: {  	_ =	strace $0x8FFFFFFF  }
0x98: {  	s19 =	sld [smem:$0x3FDB];
	_ =	sdelay $0x1  }
0x99: {  	s4 =	simm.s32 $_scs_section_size  }
0x9a: {  	s5 =	simm.s32 $_size__tile_overlayer_lowered;
	s6 =	simm.s32 $_tile_overlayer_lowered  }
0x9b: {  	s22 =	simm.s32 $0x1BFF;
	s21 =	sshll.u32 s6, $0x1;
	s3 =	sadd.s32 s4, s19  }
0x9c: {  	s7 =	simm.s32 $0x0;
	s20 =	sshll.u32 s5, $0x1;
	s5 =	sadd.s32 s21, s3  }
0x9d: {  	[timem:s7], [sflag:s22] =	dma.local [hbm:s5], s20  }
0x9e: {  	_ =	swait.ge [sflag:s22], s20  }
0x9f: {  	s4 =	ssub.s32 $0x0, s20;
	[sflag:s22] =	ssyncset.done $0x0  }
0xa0: {  	[sflag:s22] =	ssyncadd.s32 s4;
	_ =	sdelay $0x1  }
0xa1: {  	s23 =	simm.s32 $0x1B8B  }
0xa2: {  	_ =	swait.ge [sflag:s23], $0x1  }
0xa3: {  	[sflag:s23] =	ssyncset.done $0x0  }
0xa4: {  	s25 =	simm.s32 $0x1B8E;
	s24 =	sld [smem:$0x3FFE];
	[sflag:s23] =	ssyncadd.s32 $0xFFFFFFFF  }
0xa5: {  	s26 =	simm.s32 $execute0_lowered;
	[smem:$0x3FD2] =	sst s25  }
0xa6: {  	s5 =	sshll.u32 s26, $0x1;
	_ =	strace $0x80000049;
	[dreg:$0x1] =	wrdreg $0xFFFFFFFF  }
0xa7: {  	s28 =	simm.s32 $_size_execute0_lowered;
	s3 =	sadd.s32 s3, s5;
	[dreg:$0x0] =	wrdreg $0x0  }
0xa8: {  	s5 =	sshll.u32 s28, $0x1;
	[dreg:$0x2] =	wrdreg s3  }
0xa9: {  	[dreg:$0x3] =	wrdreg s5  }
0xaa: {  	[dreg:$0x4] =	wrdreg $0xC0  }
0xab: {  	_ =	task [dreg:s7], $0x5FFFF  }
0xac: {  	[dreg:$0x1] =	wrdreg $0xFFFFFFFF  }
0xad: {  	[dreg:$0x0] =	wrdreg $0x60  }
0xae: {  	[dreg:$0x2] =	wrdreg s24  }
0xaf: {  	[dreg:$0x3] =	wrdreg s2  }
0xb0: {  	[dreg:$0x4] =	wrdreg $0x9  }
0xb1: {  	_ =	task.clear_ibuf [dreg:s7], $0x5FFFF;
	_ =	strace $0x90000049  }
0xb2: {  	s29 =	simm.s32 $0x9;
	_ =	strace $0x8000004B  }
0xb3: {  	_ =	swait.ge [sflag:s29], $0x1  }
0xb4: {  	[sflag:s29] =	ssyncadd.s32 $0xFFFFFFFF  }
0xb5: {  	_ =	strace $0x9000004B  }
0xb6: {  	_ =	sfence  }
0xb7: {  	s30 =	sld [smem:$0x0];
	_ =	sdelay $0x2  }
0xb8: {  	s31 =	sshll.u32 s1, $0xD;
	s1 =	sshrl.u32 s1, $0x2  }
0xb9: {  	s3 =	sand.u32 $0x4000, s31;
	s1 =	sadd.s32 s1, s30  }
0xba: {  	s0 =	sor.u32 s3, s0;
	s1 =	sshll.u32 s1, $0x11  }
0xbb: {  	s0 =	sor.u32 s1, s0  }
0xbc: {  	s0 =	sadd.s32 $0x8F2B, s0  }
0xbd: {  	[sflag:s0] =	ssyncadd.remote.s32 $0x1  }
0xbe: {  	_ =	sfence.sel $0xFFFF  }
0xbf: {  	[dreg:$0x0] =	wrdreg $0xFFFFFFFF;
	(pc) =	sbr.abs _section_cstart, $3  }
0xc0: {  	[dreg:$0x1] =	wrdreg $0xFFFFFFFF  }
0xc1: {  	_ =	task.clear_ibuf [dreg:s7], $0x2FFFF;
	_ =	strace $0x9FFFFFFF  }
0xc2: {  	(tm) =	ssettm $0x7FFFFFFF  }
0xc3: {  	_ =	shalt  }
tec
execute0_lowered:
.L_overlay_start_1:
0x0: {  	(tag) =	ssettag $0x1  }
0x1: {  	s0 =	rddreg [dreg:$0x0]  }
0x2: {  	s5 =	rddreg [dreg:$0x1];
	s3 =	srdreg.scid  }
0x3: {  	s2 =	simm.s32 $0x0;
	s1 =	stileid.u32;
	s26 =	simm.s32 $0x880  }
0x4: {  	s10 =	simm.s32 $0x1880;
	s11 =	simm.s32 $0x2080;
	s12 =	simm.s32 $0x2880  }
0x5: {  	s13 =	simm.s32 $0x3080;
	s14 =	simm.s32 $0x3880;
	s15 =	simm.s32 $0x4080  }
0x6: {  	s16 =	simm.s32 $0x4880;
	s17 =	simm.s32 $0x5080;
	s18 =	simm.s32 $0x5880  }
0x7: {  	s19 =	simm.s32 $0x6080;
	s20 =	simm.s32 $0x6880;
	s21 =	simm.s32 $0x7080  }
0x8: {  	s22 =	simm.s32 $0x7880;
	s28 =	simm.s32 $0xA080;
	s29 =	simm.s32 $0xA880  }
0x9: {  	s30 =	simm.s32 $0xB080;
	s31 =	simm.s32 $0xB880;
	s3 =	sand.u32 $0x1, s3  }
0xa: {  	[smem:$0x7FF] =	sst s2;
	s4 =	sshll.u32 s1, $0x4;
	s6 =	sshll.u32 s3, $0x3  }
0xb: {  	_ =	strace $0x8000004A;
	s23 =	ssub.s32 $0x2, s3;
	s3 =	sadd.s32 $0xBE00, s0  }
0xc: {  	[dreg:$0x5] =	wrdreg s26;
	s26 =	simm.s32 $0x9880;
	s4 =	sor.u32 s6, s4  }
0xd: {  	s8 =	sshrl.u32 s23, $0x1;
	s7 =	sadd.s32 s4, s0;
	s9 =	smul.u32 $0x300, s4  }
0xe: {  	s6 =	ssub.s32 s23, s8;
	s4 =	sadd.s32 $0xBF00, s0;
	s8 =	simm.s32 $0x80  }
0xf: {  	s23 =	simm.s32 $0x8080;
	s24 =	sadd.s32 $0xBC00, s7;
	s6 =	smax.u32 s6, $0x1  }
0x10: {  	v2 =	vlaneseq.u32;
	s7 =	simm.s32 $0x2;
	[dreg:$0x3] =	wrdreg s24;
	s25 =	sadd.s32 s5, s9  }
0x11: {  	vm0 =	vmmov $0xffff;
	v1 =	vshrl.u32 v2, $0x3;
	s5 =	sadd.s32 $0xC000, s0;
	s9 =	simm.s32 $0x1080;
	s24 =	simm.s32 $0x8880  }
0x12: {  	v0 =	vand.u32 $0x7, v2;
	v2 =	vor.u32 $0x8, v2;
	v1 =	vmul.u32 $0x8, v1;
	s0 =	simm.s32 $0x1;
	[dreg:$0x4] =	wrdreg s25;
	s25 =	simm.s32 $0x9080  }
.LBB2_1:
0x13: {  	s1 =	rddreg [dreg:$0x3]  }
0x14: {  	[tilespmem:s2], [sflag:$0x2] =	stream.linear.gather [hbm4b:s1+s2], $0x40, $0x38;
	[tilespmem:$0xC080] =	vst v63  }
0x15: {  	_ =	swait.ge [sflag:s7], $0x40  }
0x16: {  	[sflag:s7] =	ssyncset.done $0x0  }
0x17: {  	[sflag:s7] =	ssyncadd.s32 $0xFFFFFFC0  }
0x18: {  	v3 =	vld [tilespmem:$0x0];
	_ =	sdelay $0x4  }
0x19: {  	v4 =	vshrl.u32 v3, $0x3  }
0x1a: {  	v4 =	vmul.u32 $0x30, v4  }
0x1b: {  	v3 =	vand.u32 $0x7, v3  }
0x1c: {  	v3 =	vor.u32 v3, v4  }
0x1d: {  	v4 =	vperm.xlane v3, v0;
	_ =	sdelay $0x1  }
0x1e: {  	v4 =	vadd.s32 v1, v4;
	_ =	sdelay $0x3  }
0x1f: {  	v3 =	vperm.xlane v3, v2  }
0x20: {  	[tilespmem:s8], [sflag:$0x1] =	stream.indirect_vreg.gather [hbm4b:s3+s2], $0x80, v4, vm0, $0xb8;
	[tilespmem:$0xC080] =	vst v63  }
0x21: {  	s1 =	rddreg [dreg:$0x5];
	v3 =	vadd.s32 v1, v3  }
0x22: {  	[tilespmem:s1], [sflag:$0x1] =	stream.indirect_vreg.gather [hbm4b:s4+s2], $0x80, v4, vm0, $0xb8;
	[tilespmem:$0xC080] =	vst v63  }
0x23: {  	_ = 	snop  }
0x24: {  	[tilespmem:s9], [sflag:$0x1] =	stream.indirect_vreg.gather [hbm4b:s5+s2], $0x80, v4, vm0, $0xb8;
	[tilespmem:$0xC080] =	vst v63  }
0x25: {  	_ = 	snop  }
0x26: {  	[tilespmem:s10], [sflag:$0x1] =	stream.indirect_vreg.gather [hbm4b:s3+s2], $0x80, v3, vm0, $0xb8;
	[tilespmem:$0xC080] =	vst v63  }
0x27: {  	_ = 	snop  }
0x28: {  	[tilespmem:s11], [sflag:$0x1] =	stream.indirect_vreg.gather [hbm4b:s4+s2], $0x80, v3, vm0, $0xb8;
	[tilespmem:$0xC080] =	vst v63  }
0x29: {  	_ = 	snop  }
0x2a: {  	[tilespmem:s12], [sflag:$0x1] =	stream.indirect_vreg.gather [hbm4b:s5+s2], $0x80, v3, vm0, $0xb8;
	[tilespmem:$0xC080] =	vst v63  }
0x2b: {  	v3 =	vld [tilespmem:$0x10];
	_ =	sdelay $0x4  }
0x2c: {  	v61 =	vshrl.u32 v3, $0x3  }
0x2d: {  	v4 =	vmul.u32 $0x30, v61  }
0x2e: {  	v3 =	vand.u32 $0x7, v3  }
0x2f: {  	v3 =	vor.u32 v3, v4  }
0x30: {  	v4 =	vperm.xlane v3, v0;
	_ =	sdelay $0x1  }
0x31: {  	v4 =	vadd.s32 v1, v4;
	_ =	sdelay $0x3  }
0x32: {  	v3 =	vperm.xlane v3, v2  }
0x33: {  	[tilespmem:s13], [sflag:$0x1] =	stream.indirect_vreg.gather [hbm4b:s3+s2], $0x80, v4, vm0, $0xb8;
	[tilespmem:$0xC080] =	vst v63  }
0x34: {  	v3 =	vadd.s32 v1, v3  }
0x35: {  	[tilespmem:s14], [sflag:$0x1] =	stream.indirect_vreg.gather [hbm4b:s4+s2], $0x80, v4, vm0, $0xb8;
	[tilespmem:$0xC080] =	vst v63  }
0x36: {  	_ = 	snop  }
0x37: {  	[tilespmem:s15], [sflag:$0x1] =	stream.indirect_vreg.gather [hbm4b:s5+s2], $0x80, v4, vm0, $0xb8;
	[tilespmem:$0xC080] =	vst v63  }
0x38: {  	_ = 	snop  }
0x39: {  	[tilespmem:s16], [sflag:$0x1] =	stream.indirect_vreg.gather [hbm4b:s3+s2], $0x80, v3, vm0, $0xb8;
	[tilespmem:$0xC080] =	vst v63  }
0x3a: {  	_ = 	snop  }
0x3b: {  	[tilespmem:s17], [sflag:$0x1] =	stream.indirect_vreg.gather [hbm4b:s4+s2], $0x80, v3, vm0, $0xb8;
	[tilespmem:$0xC080] =	vst v63  }
0x3c: {  	_ = 	snop  }
0x3d: {  	[tilespmem:s18], [sflag:$0x1] =	stream.indirect_vreg.gather [hbm4b:s5+s2], $0x80, v3, vm0, $0xb8;
	[tilespmem:$0xC080] =	vst v63  }
0x3e: {  	v3 =	vld [tilespmem:$0x20];
	_ =	sdelay $0x4  }
0x3f: {  	v62 =	vshrl.u32 v3, $0x3  }
0x40: {  	v4 =	vmul.u32 $0x30, v62  }
0x41: {  	v3 =	vand.u32 $0x7, v3  }
0x42: {  	v3 =	vor.u32 v3, v4  }
0x43: {  	v4 =	vperm.xlane v3, v0;
	_ =	sdelay $0x1  }
0x44: {  	v4 =	vadd.s32 v1, v4;
	_ =	sdelay $0x3  }
0x45: {  	v3 =	vperm.xlane v3, v2  }
0x46: {  	[tilespmem:s19], [sflag:$0x1] =	stream.indirect_vreg.gather [hbm4b:s3+s2], $0x80, v4, vm0, $0xb8;
	[tilespmem:$0xC080] =	vst v63  }
0x47: {  	v3 =	vadd.s32 v1, v3  }
0x48: {  	[tilespmem:s20], [sflag:$0x1] =	stream.indirect_vreg.gather [hbm4b:s4+s2], $0x80, v4, vm0, $0xb8;
	[tilespmem:$0xC080] =	vst v63  }
0x49: {  	_ = 	snop  }
0x4a: {  	[tilespmem:s21], [sflag:$0x1] =	stream.indirect_vreg.gather [hbm4b:s5+s2], $0x80, v4, vm0, $0xb8;
	[tilespmem:$0xC080] =	vst v63  }
0x4b: {  	_ = 	snop  }
0x4c: {  	[tilespmem:s22], [sflag:$0x1] =	stream.indirect_vreg.gather [hbm4b:s3+s2], $0x80, v3, vm0, $0xb8;
	[tilespmem:$0xC080] =	vst v63  }
0x4d: {  	_ = 	snop  }
0x4e: {  	[tilespmem:s23], [sflag:$0x1] =	stream.indirect_vreg.gather [hbm4b:s4+s2], $0x80, v3, vm0, $0xb8;
	[tilespmem:$0xC080] =	vst v63  }
0x4f: {  	_ = 	snop  }
0x50: {  	[tilespmem:s24], [sflag:$0x1] =	stream.indirect_vreg.gather [hbm4b:s5+s2], $0x80, v3, vm0, $0xb8;
	[tilespmem:$0xC080] =	vst v63  }
0x51: {  	v3 =	vld [tilespmem:$0x30];
	_ =	sdelay $0x4  }
0x52: {  	v63 =	vshrl.u32 v3, $0x3  }
0x53: {  	v4 =	vmul.u32 $0x30, v63  }
0x54: {  	v3 =	vand.u32 $0x7, v3  }
0x55: {  	v3 =	vor.u32 v3, v4  }
0x56: {  	v4 =	vperm.xlane v3, v0;
	_ =	sdelay $0x1  }
0x57: {  	v4 =	vadd.s32 v1, v4;
	_ =	sdelay $0x3  }
0x58: {  	v3 =	vperm.xlane v3, v2  }
0x59: {  	[tilespmem:s25], [sflag:$0x1] =	stream.indirect_vreg.gather [hbm4b:s3+s2], $0x80, v4, vm0, $0xb8;
	[tilespmem:$0xC080] =	vst v63  }
0x5a: {  	v3 =	vadd.s32 v1, v3  }
0x5b: {  	[tilespmem:s26], [sflag:$0x1] =	stream.indirect_vreg.gather [hbm4b:s4+s2], $0x80, v4, vm0, $0xb8;
	[tilespmem:$0xC080] =	vst v63  }
0x5c: {  	_ = 	snop  }
0x5d: {  	[tilespmem:s28], [sflag:$0x1] =	stream.indirect_vreg.gather [hbm4b:s5+s2], $0x80, v4, vm0, $0xb8;
	[tilespmem:$0xC080] =	vst v63  }
0x5e: {  	_ = 	snop  }
0x5f: {  	[tilespmem:s29], [sflag:$0x1] =	stream.indirect_vreg.gather [hbm4b:s3+s2], $0x80, v3, vm0, $0xb8;
	[tilespmem:$0xC080] =	vst v63  }
0x60: {  	_ = 	snop  }
0x61: {  	[tilespmem:s30], [sflag:$0x1] =	stream.indirect_vreg.gather [hbm4b:s4+s2], $0x80, v3, vm0, $0xb8;
	[tilespmem:$0xC080] =	vst v63  }
0x62: {  	_ = 	snop  }
0x63: {  	[tilespmem:s31], [sflag:$0x1] =	stream.indirect_vreg.gather [hbm4b:s5+s2], $0x80, v3, vm0, $0xb8;
	[tilespmem:$0xC080] =	vst v63  }
0x64: {  	_ =	swait.ge [sflag:s0], $0xC000  }
0x65: {  	p0 =	sne.s32 s6, $0x1;
	[sflag:s0] =	ssyncset.done $0x0  }
.Ltmp0:
0x66: {  	s1 =	rddreg [dreg:$0x4];
	[sflag:s0] =	ssyncadd.s32 $0xFFFF4000;
	(pc) =	sbr.rel @p0 .LBB2_1-.Ltmp0, $4  }
0x67: {  	[hbm4b:s1+s2] =	stream.linear.scatter [tilespmem:s8], [sflag:$0x2], $0xC000, $0x38;
	[tilespmem:$0xC080] =	vst v63  }
0x68: {  	_ =	swait.ge [sflag:s7], $0xC000  }
0x69: {  	[sflag:s7] =	ssyncset.done $0x0  }
0x6a: {  	s6 =	sadd.s32 $0xFFFFFFFF, s6;
	[sflag:s7] =	ssyncadd.s32 $0xFFFF4000  }
0x6b: {  	_ =	sfence.sel $0x180000  }
0x6c: {  	[bflag:$0x0] =	sbarrier.arrive $0xFFFF  }
0x6d: {  	_ =	strace $0x9000004A  }
0x6e: {  	s0 =	stileid.u32;
	[bflag:$0x2] =	sbarrier.arrive $0xFFFF  }
0x6f: {  	p0 =	sne.s32 s0, $0x0;
	s0 =	rddreg [dreg:$0x2]  }
0x70: {  	s0 =	sadd.s32 @!p0 $0x100000, s0  }
0x71: {  	[sflag:s0] =	ssyncadd.tile.s32 @!p0 $0x1;
	_ =	shalt  }
.Lfunc_end2:
_tile_overlayer_lowered:
.L_overlay_start_2:
0x72: {  	(tag) =	ssettag $0x2  }
0x73: {  	s0 =	rddreg [dreg:$0x0];
	s2 =	stileid.u32  }
0x74: {  	s1 =	rddreg [dreg:$0x1];
	p0 =	sne.s32 s2, $0x0  }
0x75: {  	s3 =	rddreg [dreg:$0x2];
	[bflag:$0x3] =	sbarrier.arrive $0xFFFF;
	s2 =	simm.s32 @!p0 $0x1C02  }
0x76: {  	[timem:s3], [sflag:s2] =	dma.local @!p0 [hbm:s0], s1  }
0x77: {  	s0 =	simm.s32 @!p0 $0x2  }
0x78: {  	_ =	swait.ge @!p0 [sflag:s0], s1  }
0x79: {  	s1 =	ssub.s32 @!p0 $0x0, s1;
	[sflag:s0] =	ssyncset.done @!p0 $0x0  }
0x7a: {  	[sflag:s0] =	ssyncadd.s32 @!p0 s1  }
0x7b: {  	[bflag:$0x3] =	sbarrier.arrive $0xFFFF  }
0x7c: {  	_ =	shalt  }

</sc_bundles>
